<compile_context>
chip_gen: v7x
topology: tpu7x:2x2x1
jax: 0.10.2.dev20260603
libtpu: 0.0.44.dev20260713+nightly
codegen_flags: <defaults>
</compile_context>

<pallas_src>
import functools

import jax
import jax.numpy as jnp
from jax import lax
from jax.experimental import pallas as pl
from jax.experimental.pallas import tpu as pltpu
from jax.experimental.pallas import tpu_sc as plsc

B = 16384
D = 32
H1 = 64
H2 = 32
NC = 2
NS = 16
NW = NC * NS
B_PER_W = B // NW
CHUNK = 128
NCHUNK = B_PER_W // CHUNK


def _sc_gather_body(ut_hbm, it_hbm, uidx_hbm, iidx_hbm, u_out, i_out,
                    idx_v, rows_u, rows_i, sem):
    wid = lax.axis_index("s") * NC + lax.axis_index("c")
    base = wid * B_PER_W
    for c in range(NCHUNK):
        pltpu.sync_copy(uidx_hbm.at[pl.ds(base + c * CHUNK, CHUNK)],
                        idx_v.at[c])
        pltpu.sync_copy(iidx_hbm.at[pl.ds(base + c * CHUNK, CHUNK)],
                        idx_v.at[NCHUNK + c])
    cps = []
    for c in range(NCHUNK):
        cps.append(pltpu.async_copy(
            ut_hbm.at[idx_v.at[c]],
            rows_u.at[pl.ds(c * CHUNK, CHUNK)], sem))
    for c in range(NCHUNK):
        cps.append(pltpu.async_copy(
            it_hbm.at[idx_v.at[NCHUNK + c]],
            rows_i.at[pl.ds(c * CHUNK, CHUNK)], sem))
    for cp in cps:
        cp.wait()
    pltpu.sync_copy(rows_u, u_out.at[pl.ds(base, B_PER_W)])
    pltpu.sync_copy(rows_i, i_out.at[pl.ds(base, B_PER_W)])


_sc_gather = functools.partial(
    pl.kernel,
    mesh=plsc.VectorSubcoreMesh(core_axis_name="c", subcore_axis_name="s"),
    out_type=(jax.ShapeDtypeStruct((B, D), jnp.float32),
              jax.ShapeDtypeStruct((B, D), jnp.float32)),
    scratch_types=[
        pltpu.VMEM((2 * NCHUNK, CHUNK), jnp.int32),
        pltpu.VMEM((B_PER_W, D), jnp.float32),
        pltpu.VMEM((B_PER_W, D), jnp.float32),
        pltpu.SemaphoreType.DMA,
    ],
    compiler_params=pltpu.CompilerParams(use_tc_tiling_on_sc=False),
)(_sc_gather_body)


def _mlp_body(u_ref, i_ref, w1u_ref, w1i_ref, b1_ref, w2_ref, b2_ref,
              w3_ref, b3_ref, o_ref):
    x = (jnp.dot(u_ref[...], w1u_ref[...], preferred_element_type=jnp.float32)
         + jnp.dot(i_ref[...], w1i_ref[...], preferred_element_type=jnp.float32)
         + b1_ref[...])
    x = jnp.maximum(x, 0.0)
    x = jnp.dot(x, w2_ref[...], preferred_element_type=jnp.float32) + b2_ref[...]
    x = jnp.maximum(x, 0.0)
    y = jnp.dot(x, w3_ref[...], preferred_element_type=jnp.float32) + b3_ref[...]
    o_ref[...] = 4.0 / (1.0 + jnp.exp(-y)) + 1.0


def _mlp(u_emb, i_emb, w1u, w1i, b1, w2, b2, w3, b3):
    blk = 2048
    grid = (B // blk,)
    rep = lambda i: (0, 0)
    return pl.pallas_call(
        _mlp_body,
        grid=grid,
        in_specs=[
            pl.BlockSpec((blk, D), lambda i: (i, 0)),
            pl.BlockSpec((blk, D), lambda i: (i, 0)),
            pl.BlockSpec((D, H1), rep),
            pl.BlockSpec((D, H1), rep),
            pl.BlockSpec((1, H1), rep),
            pl.BlockSpec((H1, H2), rep),
            pl.BlockSpec((1, H2), rep),
            pl.BlockSpec((H2, 1), rep),
            pl.BlockSpec((1, 1), rep),
        ],
        out_specs=pl.BlockSpec((blk, 1), lambda i: (i, 0)),
        out_shape=jax.ShapeDtypeStruct((B, 1), jnp.float32),
    )(u_emb, i_emb, w1u, w1i, b1, w2, b2, w3, b3)


@jax.jit
def kernel(user_idx, item_idx, user_table, item_table, W1, b1, W2, b2, W3, b3):
    uidx = user_idx.astype(jnp.int32)
    iidx = item_idx.astype(jnp.int32)
    u_emb, i_emb = _sc_gather(user_table, item_table, uidx, iidx)
    return _mlp(u_emb, i_emb, W1[:D], W1[D:], b1.reshape(1, H1),
                W2, b2.reshape(1, H2), W3, b3.reshape(1, 1))

# --- scband reference (transcript-rebuilt; emitter-appended) ---
"""Pipeline reference for scband-ncf-model-12111807774978 (READ-ONLY COPY).

The authoritative reference and input builder live on the scoring server;
editing this copy changes nothing except your own understanding.
"""

import jax, jax.numpy as jnp
import numpy as np

B = 16384
NUM_USERS = 1000000
NUM_ITEMS = 1000000
D = 32


def setup_inputs(seed: int = 0) -> dict:
    key = jax.random.key(seed)
    ks = jax.random.split(key, 10)
    user_idx = jax.random.randint(ks[0], (B,), 0, NUM_USERS, dtype=jnp.int64 if jax.config.jax_enable_x64 else jnp.int32)
    item_idx = jax.random.randint(ks[1], (B,), 0, NUM_ITEMS, dtype=jnp.int64 if jax.config.jax_enable_x64 else jnp.int32)
    user_table = jax.random.normal(ks[2], (NUM_USERS, D), dtype=jnp.float32) * 0.02
    item_table = jax.random.normal(ks[3], (NUM_ITEMS, D), dtype=jnp.float32) * 0.02
    W1 = jax.random.normal(ks[4], (2 * D, 64), dtype=jnp.float32) * 0.05
    b1 = jnp.zeros((64,), dtype=jnp.float32)
    W2 = jax.random.normal(ks[5], (64, 32), dtype=jnp.float32) * 0.05
    b2 = jnp.zeros((32,), dtype=jnp.float32)
    W3 = jax.random.normal(ks[6], (32, 1), dtype=jnp.float32) * 0.05
    b3 = jnp.zeros((1,), dtype=jnp.float32)
    return {"user_idx": user_idx, "item_idx": item_idx,
            "user_table": user_table, "item_table": item_table,
            "W1": W1, "b1": b1, "W2": W2, "b2": b2, "W3": W3, "b3": b3}


def reference(user_idx, item_idx, user_table, item_table, W1, b1, W2, b2, W3, b3):
    # embedding lookups (gather)
    u_emb = jnp.take(user_table, user_idx, axis=0)
    i_emb = jnp.take(item_table, item_idx, axis=0)
    x = jnp.concatenate([u_emb, i_emb], axis=1)
    # fc1 + relu (dropout is identity in eval mode)
    x = jax.nn.relu(x @ W1 + b1)
    # fc2 + relu
    x = jax.nn.relu(x @ W2 + b2)
    # output layer
    x = x @ W3 + b3
    return jax.nn.sigmoid(x) * 4 + 1

if __name__ == "__main__":
    import jax
    _d = setup_inputs()
    print(jax.jit(kernel)(*tuple(_d.values())))

</pallas_src>

<mosaic_0001>
#map = affine_map<(d0, d1) -> (0, 0)>
#map1 = affine_map<(d0, d1) -> (0)>
module attributes {stable_mosaic.version = 14 : i64} {
  func.func @_sc_gather_body(%arg0: i32, %arg1: i32, %arg2: memref<1000000x32xf32, #tpu.memory_space<hbm>>, %arg3: memref<1000000x32xf32, #tpu.memory_space<hbm>>, %arg4: memref<16384xi32, #tpu.memory_space<hbm>>, %arg5: memref<16384xi32, #tpu.memory_space<hbm>>, %arg6: memref<16384x32xf32, #tpu.memory_space<hbm>>, %arg7: memref<16384x32xf32, #tpu.memory_space<hbm>>, %arg8: memref<8x128xi32, #tpu.memory_space<vmem>>, %arg9: memref<512x32xf32, #tpu.memory_space<vmem>>, %arg10: memref<512x32xf32, #tpu.memory_space<vmem>>, %arg11: memref<!tpu.dma_semaphore, #tpu.memory_space<semaphore_mem>>) attributes {dimension_semantics = [#tpu.dimension_semantics<core_parallel>, #tpu.dimension_semantics<subcore_parallel>], iteration_bounds = array<i64: 2, 16>, scalar_prefetch = 0 : i64, scratch_operands = 4 : i64, tpu.core_type = #tpu.core_type<sc_vector_subcore>, window_params = [{transform_indices = #map}, {transform_indices = #map}, {transform_indices = #map1}, {transform_indices = #map1}, {transform_indices = #map}, {transform_indices = #map}]} {
    %mul3A = arith.constant 2 : i32
    %mul3A_0 = arith.muli %arg1, %mul3A : i32
    %add3A = arith.addi %mul3A_0, %arg0 : i32
    %mul3A_1 = arith.constant 512 : i32
    %mul3A_2 = arith.muli %add3A, %mul3A_1 : i32
    %add3A_3 = arith.constant 0 : i32
    %add3A_4 = arith.addi %mul3A_2, %add3A_3 : i32
    %run_scoped3A = arith.constant 0 : i32
    "tpu.region"() ({
      %run_scoped3A_184 = tpu.sem_alloc : memref<!tpu.dma_semaphore, #tpu.memory_space<semaphore_mem>>
      %dma_start3A_185 = arith.constant 0 : i32
      %dma_start3A_186 = tpu.memref_slice %arg8[%run_scoped3A, %dma_start3A_185] : memref<8x128xi32, #tpu.memory_space<vmem>> -> memref<1x128xi32, #tpu.memory_space<vmem>>
      %dma_start3A_187 = tpu.memref_squeeze %dma_start3A_186 : memref<1x128xi32, #tpu.memory_space<vmem>> -> memref<128xi32, #tpu.memory_space<vmem>>
      %dma_start3A_188 = tpu.memref_slice %arg4[%add3A_4] : memref<16384xi32, #tpu.memory_space<hbm>> -> memref<128xi32, #tpu.memory_space<hbm>>
      %dma_start3A_189 = arith.constant 0 : i32
      %dma_start3A_190 = tpu.memref_slice %arg8[%run_scoped3A, %dma_start3A_189] : memref<8x128xi32, #tpu.memory_space<vmem>> -> memref<1x128xi32, #tpu.memory_space<vmem>>
      %dma_start3A_191 = tpu.memref_squeeze %dma_start3A_190 : memref<1x128xi32, #tpu.memory_space<vmem>> -> memref<128xi32, #tpu.memory_space<vmem>>
      %dma_start3A_192 = tpu.memref_slice %arg4[%add3A_4] : memref<16384xi32, #tpu.memory_space<hbm>> -> memref<128xi32, #tpu.memory_space<hbm>>
      tpu.enqueue_dma source(%dma_start3A_192 : memref<128xi32, #tpu.memory_space<hbm>>) target(%dma_start3A_191 : memref<128xi32, #tpu.memory_space<vmem>>) target_semaphore(%run_scoped3A_184 : memref<!tpu.dma_semaphore, #tpu.memory_space<semaphore_mem>>)
      %dma_wait3A_193 = arith.constant 0 : i32
      %dma_wait3A_194 = tpu.memref_slice %arg8[%run_scoped3A, %dma_wait3A_193] : memref<8x128xi32, #tpu.memory_space<vmem>> -> memref<1x128xi32, #tpu.memory_space<vmem>>
      %dma_wait3A_195 = tpu.memref_squeeze %dma_wait3A_194 : memref<1x128xi32, #tpu.memory_space<vmem>> -> memref<128xi32, #tpu.memory_space<vmem>>
      %dma_wait3A_196 = tpu.memref_slice %arg4[%add3A_4] : memref<16384xi32, #tpu.memory_space<hbm>> -> memref<128xi32, #tpu.memory_space<hbm>>
      %dma_wait3A_197 = arith.constant 0 : i32
      %dma_wait3A_198 = tpu.memref_slice %arg8[%run_scoped3A, %dma_wait3A_197] : memref<8x128xi32, #tpu.memory_space<vmem>> -> memref<1x128xi32, #tpu.memory_space<vmem>>
      %dma_wait3A_199 = tpu.memref_squeeze %dma_wait3A_198 : memref<1x128xi32, #tpu.memory_space<vmem>> -> memref<128xi32, #tpu.memory_space<vmem>>
      %dma_wait3A_200 = tpu.memref_slice %arg4[%add3A_4] : memref<16384xi32, #tpu.memory_space<hbm>> -> memref<128xi32, #tpu.memory_space<hbm>>
      tpu.wait_dma2 semaphore(%run_scoped3A_184 : memref<!tpu.dma_semaphore, #tpu.memory_space<semaphore_mem>>) src(%dma_wait3A_200 : memref<128xi32, #tpu.memory_space<hbm>>) dst(%dma_wait3A_199 : memref<128xi32, #tpu.memory_space<vmem>>)
      tpu.yield
    }) : () -> ()
    %add3A_5 = arith.constant 0 : i32
    %add3A_6 = arith.addi %mul3A_2, %add3A_5 : i32
    %run_scoped3A_7 = arith.constant 4 : i32
    "tpu.region"() ({
      %run_scoped3A_184 = tpu.sem_alloc : memref<!tpu.dma_semaphore, #tpu.memory_space<semaphore_mem>>
      %dma_start3A_185 = arith.constant 0 : i32
      %dma_start3A_186 = tpu.memref_slice %arg8[%run_scoped3A_7, %dma_start3A_185] : memref<8x128xi32, #tpu.memory_space<vmem>> -> memref<1x128xi32, #tpu.memory_space<vmem>>
      %dma_start3A_187 = tpu.memref_squeeze %dma_start3A_186 : memref<1x128xi32, #tpu.memory_space<vmem>> -> memref<128xi32, #tpu.memory_space<vmem>>
      %dma_start3A_188 = tpu.memref_slice %arg5[%add3A_6] : memref<16384xi32, #tpu.memory_space<hbm>> -> memref<128xi32, #tpu.memory_space<hbm>>
      %dma_start3A_189 = arith.constant 0 : i32
      %dma_start3A_190 = tpu.memref_slice %arg8[%run_scoped3A_7, %dma_start3A_189] : memref<8x128xi32, #tpu.memory_space<vmem>> -> memref<1x128xi32, #tpu.memory_space<vmem>>
      %dma_start3A_191 = tpu.memref_squeeze %dma_start3A_190 : memref<1x128xi32, #tpu.memory_space<vmem>> -> memref<128xi32, #tpu.memory_space<vmem>>
      %dma_start3A_192 = tpu.memref_slice %arg5[%add3A_6] : memref<16384xi32, #tpu.memory_space<hbm>> -> memref<128xi32, #tpu.memory_space<hbm>>
      tpu.enqueue_dma source(%dma_start3A_192 : memref<128xi32, #tpu.memory_space<hbm>>) target(%dma_start3A_191 : memref<128xi32, #tpu.memory_space<vmem>>) target_semaphore(%run_scoped3A_184 : memref<!tpu.dma_semaphore, #tpu.memory_space<semaphore_mem>>)
      %dma_wait3A_193 = arith.constant 0 : i32
      %dma_wait3A_194 = tpu.memref_slice %arg8[%run_scoped3A_7, %dma_wait3A_193] : memref<8x128xi32, #tpu.memory_space<vmem>> -> memref<1x128xi32, #tpu.memory_space<vmem>>
      %dma_wait3A_195 = tpu.memref_squeeze %dma_wait3A_194 : memref<1x128xi32, #tpu.memory_space<vmem>> -> memref<128xi32, #tpu.memory_space<vmem>>
      %dma_wait3A_196 = tpu.memref_slice %arg5[%add3A_6] : memref<16384xi32, #tpu.memory_space<hbm>> -> memref<128xi32, #tpu.memory_space<hbm>>
      %dma_wait3A_197 = arith.constant 0 : i32
      %dma_wait3A_198 = tpu.memref_slice %arg8[%run_scoped3A_7, %dma_wait3A_197] : memref<8x128xi32, #tpu.memory_space<vmem>> -> memref<1x128xi32, #tpu.memory_space<vmem>>
      %dma_wait3A_199 = tpu.memref_squeeze %dma_wait3A_198 : memref<1x128xi32, #tpu.memory_space<vmem>> -> memref<128xi32, #tpu.memory_space<vmem>>
      %dma_wait3A_200 = tpu.memref_slice %arg5[%add3A_6] : memref<16384xi32, #tpu.memory_space<hbm>> -> memref<128xi32, #tpu.memory_space<hbm>>
      tpu.wait_dma2 semaphore(%run_scoped3A_184 : memref<!tpu.dma_semaphore, #tpu.memory_space<semaphore_mem>>) src(%dma_wait3A_200 : memref<128xi32, #tpu.memory_space<hbm>>) dst(%dma_wait3A_199 : memref<128xi32, #tpu.memory_space<vmem>>)
      tpu.yield
    }) : () -> ()
    %add3A_8 = arith.constant 128 : i32
    %add3A_9 = arith.addi %mul3A_2, %add3A_8 : i32
    %run_scoped3A_10 = arith.constant 1 : i32
    "tpu.region"() ({
      %run_scoped3A_184 = tpu.sem_alloc : memref<!tpu.dma_semaphore, #tpu.memory_space<semaphore_mem>>
      %dma_start3A_185 = arith.constant 0 : i32
      %dma_start3A_186 = tpu.memref_slice %arg8[%run_scoped3A_10, %dma_start3A_185] : memref<8x128xi32, #tpu.memory_space<vmem>> -> memref<1x128xi32, #tpu.memory_space<vmem>>
      %dma_start3A_187 = tpu.memref_squeeze %dma_start3A_186 : memref<1x128xi32, #tpu.memory_space<vmem>> -> memref<128xi32, #tpu.memory_space<vmem>>
      %dma_start3A_188 = tpu.memref_slice %arg4[%add3A_9] : memref<16384xi32, #tpu.memory_space<hbm>> -> memref<128xi32, #tpu.memory_space<hbm>>
      %dma_start3A_189 = arith.constant 0 : i32
      %dma_start3A_190 = tpu.memref_slice %arg8[%run_scoped3A_10, %dma_start3A_189] : memref<8x128xi32, #tpu.memory_space<vmem>> -> memref<1x128xi32, #tpu.memory_space<vmem>>
      %dma_start3A_191 = tpu.memref_squeeze %dma_start3A_190 : memref<1x128xi32, #tpu.memory_space<vmem>> -> memref<128xi32, #tpu.memory_space<vmem>>
      %dma_start3A_192 = tpu.memref_slice %arg4[%add3A_9] : memref<16384xi32, #tpu.memory_space<hbm>> -> memref<128xi32, #tpu.memory_space<hbm>>
      tpu.enqueue_dma source(%dma_start3A_192 : memref<128xi32, #tpu.memory_space<hbm>>) target(%dma_start3A_191 : memref<128xi32, #tpu.memory_space<vmem>>) target_semaphore(%run_scoped3A_184 : memref<!tpu.dma_semaphore, #tpu.memory_space<semaphore_mem>>)
      %dma_wait3A_193 = arith.constant 0 : i32
      %dma_wait3A_194 = tpu.memref_slice %arg8[%run_scoped3A_10, %dma_wait3A_193] : memref<8x128xi32, #tpu.memory_space<vmem>> -> memref<1x128xi32, #tpu.memory_space<vmem>>
      %dma_wait3A_195 = tpu.memref_squeeze %dma_wait3A_194 : memref<1x128xi32, #tpu.memory_space<vmem>> -> memref<128xi32, #tpu.memory_space<vmem>>
      %dma_wait3A_196 = tpu.memref_slice %arg4[%add3A_9] : memref<16384xi32, #tpu.memory_space<hbm>> -> memref<128xi32, #tpu.memory_space<hbm>>
      %dma_wait3A_197 = arith.constant 0 : i32
      %dma_wait3A_198 = tpu.memref_slice %arg8[%run_scoped3A_10, %dma_wait3A_197] : memref<8x128xi32, #tpu.memory_space<vmem>> -> memref<1x128xi32, #tpu.memory_space<vmem>>
      %dma_wait3A_199 = tpu.memref_squeeze %dma_wait3A_198 : memref<1x128xi32, #tpu.memory_space<vmem>> -> memref<128xi32, #tpu.memory_space<vmem>>
      %dma_wait3A_200 = tpu.memref_slice %arg4[%add3A_9] : memref<16384xi32, #tpu.memory_space<hbm>> -> memref<128xi32, #tpu.memory_space<hbm>>
      tpu.wait_dma2 semaphore(%run_scoped3A_184 : memref<!tpu.dma_semaphore, #tpu.memory_space<semaphore_mem>>) src(%dma_wait3A_200 : memref<128xi32, #tpu.memory_space<hbm>>) dst(%dma_wait3A_199 : memref<128xi32, #tpu.memory_space<vmem>>)
      tpu.yield
    }) : () -> ()
    %add3A_11 = arith.constant 128 : i32
    %add3A_12 = arith.addi %mul3A_2, %add3A_11 : i32
    %run_scoped3A_13 = arith.constant 5 : i32
    "tpu.region"() ({
      %run_scoped3A_184 = tpu.sem_alloc : memref<!tpu.dma_semaphore, #tpu.memory_space<semaphore_mem>>
      %dma_start3A_185 = arith.constant 0 : i32
      %dma_start3A_186 = tpu.memref_slice %arg8[%run_scoped3A_13, %dma_start3A_185] : memref<8x128xi32, #tpu.memory_space<vmem>> -> memref<1x128xi32, #tpu.memory_space<vmem>>
      %dma_start3A_187 = tpu.memref_squeeze %dma_start3A_186 : memref<1x128xi32, #tpu.memory_space<vmem>> -> memref<128xi32, #tpu.memory_space<vmem>>
      %dma_start3A_188 = tpu.memref_slice %arg5[%add3A_12] : memref<16384xi32, #tpu.memory_space<hbm>> -> memref<128xi32, #tpu.memory_space<hbm>>
      %dma_start3A_189 = arith.constant 0 : i32
      %dma_start3A_190 = tpu.memref_slice %arg8[%run_scoped3A_13, %dma_start3A_189] : memref<8x128xi32, #tpu.memory_space<vmem>> -> memref<1x128xi32, #tpu.memory_space<vmem>>
      %dma_start3A_191 = tpu.memref_squeeze %dma_start3A_190 : memref<1x128xi32, #tpu.memory_space<vmem>> -> memref<128xi32, #tpu.memory_space<vmem>>
      %dma_start3A_192 = tpu.memref_slice %arg5[%add3A_12] : memref<16384xi32, #tpu.memory_space<hbm>> -> memref<128xi32, #tpu.memory_space<hbm>>
      tpu.enqueue_dma source(%dma_start3A_192 : memref<128xi32, #tpu.memory_space<hbm>>) target(%dma_start3A_191 : memref<128xi32, #tpu.memory_space<vmem>>) target_semaphore(%run_scoped3A_184 : memref<!tpu.dma_semaphore, #tpu.memory_space<semaphore_mem>>)
      %dma_wait3A_193 = arith.constant 0 : i32
      %dma_wait3A_194 = tpu.memref_slice %arg8[%run_scoped3A_13, %dma_wait3A_193] : memref<8x128xi32, #tpu.memory_space<vmem>> -> memref<1x128xi32, #tpu.memory_space<vmem>>
      %dma_wait3A_195 = tpu.memref_squeeze %dma_wait3A_194 : memref<1x128xi32, #tpu.memory_space<vmem>> -> memref<128xi32, #tpu.memory_space<vmem>>
      %dma_wait3A_196 = tpu.memref_slice %arg5[%add3A_12] : memref<16384xi32, #tpu.memory_space<hbm>> -> memref<128xi32, #tpu.memory_space<hbm>>
      %dma_wait3A_197 = arith.constant 0 : i32
      %dma_wait3A_198 = tpu.memref_slice %arg8[%run_scoped3A_13, %dma_wait3A_197] : memref<8x128xi32, #tpu.memory_space<vmem>> -> memref<1x128xi32, #tpu.memory_space<vmem>>
      %dma_wait3A_199 = tpu.memref_squeeze %dma_wait3A_198 : memref<1x128xi32, #tpu.memory_space<vmem>> -> memref<128xi32, #tpu.memory_space<vmem>>
      %dma_wait3A_200 = tpu.memref_slice %arg5[%add3A_12] : memref<16384xi32, #tpu.memory_space<hbm>> -> memref<128xi32, #tpu.memory_space<hbm>>
      tpu.wait_dma2 semaphore(%run_scoped3A_184 : memref<!tpu.dma_semaphore, #tpu.memory_space<semaphore_mem>>) src(%dma_wait3A_200 : memref<128xi32, #tpu.memory_space<hbm>>) dst(%dma_wait3A_199 : memref<128xi32, #tpu.memory_space<vmem>>)
      tpu.yield
    }) : () -> ()
    %add3A_14 = arith.constant 256 : i32
    %add3A_15 = arith.addi %mul3A_2, %add3A_14 : i32
    %run_scoped3A_16 = arith.constant 2 : i32
    "tpu.region"() ({
      %run_scoped3A_184 = tpu.sem_alloc : memref<!tpu.dma_semaphore, #tpu.memory_space<semaphore_mem>>
      %dma_start3A_185 = arith.constant 0 : i32
      %dma_start3A_186 = tpu.memref_slice %arg8[%run_scoped3A_16, %dma_start3A_185] : memref<8x128xi32, #tpu.memory_space<vmem>> -> memref<1x128xi32, #tpu.memory_space<vmem>>
      %dma_start3A_187 = tpu.memref_squeeze %dma_start3A_186 : memref<1x128xi32, #tpu.memory_space<vmem>> -> memref<128xi32, #tpu.memory_space<vmem>>
      %dma_start3A_188 = tpu.memref_slice %arg4[%add3A_15] : memref<16384xi32, #tpu.memory_space<hbm>> -> memref<128xi32, #tpu.memory_space<hbm>>
      %dma_start3A_189 = arith.constant 0 : i32
      %dma_start3A_190 = tpu.memref_slice %arg8[%run_scoped3A_16, %dma_start3A_189] : memref<8x128xi32, #tpu.memory_space<vmem>> -> memref<1x128xi32, #tpu.memory_space<vmem>>
      %dma_start3A_191 = tpu.memref_squeeze %dma_start3A_190 : memref<1x128xi32, #tpu.memory_space<vmem>> -> memref<128xi32, #tpu.memory_space<vmem>>
      %dma_start3A_192 = tpu.memref_slice %arg4[%add3A_15] : memref<16384xi32, #tpu.memory_space<hbm>> -> memref<128xi32, #tpu.memory_space<hbm>>
      tpu.enqueue_dma source(%dma_start3A_192 : memref<128xi32, #tpu.memory_space<hbm>>) target(%dma_start3A_191 : memref<128xi32, #tpu.memory_space<vmem>>) target_semaphore(%run_scoped3A_184 : memref<!tpu.dma_semaphore, #tpu.memory_space<semaphore_mem>>)
      %dma_wait3A_193 = arith.constant 0 : i32
      %dma_wait3A_194 = tpu.memref_slice %arg8[%run_scoped3A_16, %dma_wait3A_193] : memref<8x128xi32, #tpu.memory_space<vmem>> -> memref<1x128xi32, #tpu.memory_space<vmem>>
      %dma_wait3A_195 = tpu.memref_squeeze %dma_wait3A_194 : memref<1x128xi32, #tpu.memory_space<vmem>> -> memref<128xi32, #tpu.memory_space<vmem>>
      %dma_wait3A_196 = tpu.memref_slice %arg4[%add3A_15] : memref<16384xi32, #tpu.memory_space<hbm>> -> memref<128xi32, #tpu.memory_space<hbm>>
      %dma_wait3A_197 = arith.constant 0 : i32
      %dma_wait3A_198 = tpu.memref_slice %arg8[%run_scoped3A_16, %dma_wait3A_197] : memref<8x128xi32, #tpu.memory_space<vmem>> -> memref<1x128xi32, #tpu.memory_space<vmem>>
      %dma_wait3A_199 = tpu.memref_squeeze %dma_wait3A_198 : memref<1x128xi32, #tpu.memory_space<vmem>> -> memref<128xi32, #tpu.memory_space<vmem>>
      %dma_wait3A_200 = tpu.memref_slice %arg4[%add3A_15] : memref<16384xi32, #tpu.memory_space<hbm>> -> memref<128xi32, #tpu.memory_space<hbm>>
      tpu.wait_dma2 semaphore(%run_scoped3A_184 : memref<!tpu.dma_semaphore, #tpu.memory_space<semaphore_mem>>) src(%dma_wait3A_200 : memref<128xi32, #tpu.memory_space<hbm>>) dst(%dma_wait3A_199 : memref<128xi32, #tpu.memory_space<vmem>>)
      tpu.yield
    }) : () -> ()
    %add3A_17 = arith.constant 256 : i32
    %add3A_18 = arith.addi %mul3A_2, %add3A_17 : i32
    %run_scoped3A_19 = arith.constant 6 : i32
    "tpu.region"() ({
      %run_scoped3A_184 = tpu.sem_alloc : memref<!tpu.dma_semaphore, #tpu.memory_space<semaphore_mem>>
      %dma_start3A_185 = arith.constant 0 : i32
      %dma_start3A_186 = tpu.memref_slice %arg8[%run_scoped3A_19, %dma_start3A_185] : memref<8x128xi32, #tpu.memory_space<vmem>> -> memref<1x128xi32, #tpu.memory_space<vmem>>
      %dma_start3A_187 = tpu.memref_squeeze %dma_start3A_186 : memref<1x128xi32, #tpu.memory_space<vmem>> -> memref<128xi32, #tpu.memory_space<vmem>>
      %dma_start3A_188 = tpu.memref_slice %arg5[%add3A_18] : memref<16384xi32, #tpu.memory_space<hbm>> -> memref<128xi32, #tpu.memory_space<hbm>>
      %dma_start3A_189 = arith.constant 0 : i32
      %dma_start3A_190 = tpu.memref_slice %arg8[%run_scoped3A_19, %dma_start3A_189] : memref<8x128xi32, #tpu.memory_space<vmem>> -> memref<1x128xi32, #tpu.memory_space<vmem>>
      %dma_start3A_191 = tpu.memref_squeeze %dma_start3A_190 : memref<1x128xi32, #tpu.memory_space<vmem>> -> memref<128xi32, #tpu.memory_space<vmem>>
      %dma_start3A_192 = tpu.memref_slice %arg5[%add3A_18] : memref<16384xi32, #tpu.memory_space<hbm>> -> memref<128xi32, #tpu.memory_space<hbm>>
      tpu.enqueue_dma source(%dma_start3A_192 : memref<128xi32, #tpu.memory_space<hbm>>) target(%dma_start3A_191 : memref<128xi32, #tpu.memory_space<vmem>>) target_semaphore(%run_scoped3A_184 : memref<!tpu.dma_semaphore, #tpu.memory_space<semaphore_mem>>)
      %dma_wait3A_193 = arith.constant 0 : i32
      %dma_wait3A_194 = tpu.memref_slice %arg8[%run_scoped3A_19, %dma_wait3A_193] : memref<8x128xi32, #tpu.memory_space<vmem>> -> memref<1x128xi32, #tpu.memory_space<vmem>>
      %dma_wait3A_195 = tpu.memref_squeeze %dma_wait3A_194 : memref<1x128xi32, #tpu.memory_space<vmem>> -> memref<128xi32, #tpu.memory_space<vmem>>
      %dma_wait3A_196 = tpu.memref_slice %arg5[%add3A_18] : memref<16384xi32, #tpu.memory_space<hbm>> -> memref<128xi32, #tpu.memory_space<hbm>>
      %dma_wait3A_197 = arith.constant 0 : i32
      %dma_wait3A_198 = tpu.memref_slice %arg8[%run_scoped3A_19, %dma_wait3A_197] : memref<8x128xi32, #tpu.memory_space<vmem>> -> memref<1x128xi32, #tpu.memory_space<vmem>>
      %dma_wait3A_199 = tpu.memref_squeeze %dma_wait3A_198 : memref<1x128xi32, #tpu.memory_space<vmem>> -> memref<128xi32, #tpu.memory_space<vmem>>
      %dma_wait3A_200 = tpu.memref_slice %arg5[%add3A_18] : memref<16384xi32, #tpu.memory_space<hbm>> -> memref<128xi32, #tpu.memory_space<hbm>>
      tpu.wait_dma2 semaphore(%run_scoped3A_184 : memref<!tpu.dma_semaphore, #tpu.memory_space<semaphore_mem>>) src(%dma_wait3A_200 : memref<128xi32, #tpu.memory_space<hbm>>) dst(%dma_wait3A_199 : memref<128xi32, #tpu.memory_space<vmem>>)
      tpu.yield
    }) : () -> ()
    %add3A_20 = arith.constant 384 : i32
    %add3A_21 = arith.addi %mul3A_2, %add3A_20 : i32
    %run_scoped3A_22 = arith.constant 3 : i32
    "tpu.region"() ({
      %run_scoped3A_184 = tpu.sem_alloc : memref<!tpu.dma_semaphore, #tpu.memory_space<semaphore_mem>>
      %dma_start3A_185 = arith.constant 0 : i32
      %dma_start3A_186 = tpu.memref_slice %arg8[%run_scoped3A_22, %dma_start3A_185] : memref<8x128xi32, #tpu.memory_space<vmem>> -> memref<1x128xi32, #tpu.memory_space<vmem>>
      %dma_start3A_187 = tpu.memref_squeeze %dma_start3A_186 : memref<1x128xi32, #tpu.memory_space<vmem>> -> memref<128xi32, #tpu.memory_space<vmem>>
      %dma_start3A_188 = tpu.memref_slice %arg4[%add3A_21] : memref<16384xi32, #tpu.memory_space<hbm>> -> memref<128xi32, #tpu.memory_space<hbm>>
      %dma_start3A_189 = arith.constant 0 : i32
      %dma_start3A_190 = tpu.memref_slice %arg8[%run_scoped3A_22, %dma_start3A_189] : memref<8x128xi32, #tpu.memory_space<vmem>> -> memref<1x128xi32, #tpu.memory_space<vmem>>
      %dma_start3A_191 = tpu.memref_squeeze %dma_start3A_190 : memref<1x128xi32, #tpu.memory_space<vmem>> -> memref<128xi32, #tpu.memory_space<vmem>>
      %dma_start3A_192 = tpu.memref_slice %arg4[%add3A_21] : memref<16384xi32, #tpu.memory_space<hbm>> -> memref<128xi32, #tpu.memory_space<hbm>>
      tpu.enqueue_dma source(%dma_start3A_192 : memref<128xi32, #tpu.memory_space<hbm>>) target(%dma_start3A_191 : memref<128xi32, #tpu.memory_space<vmem>>) target_semaphore(%run_scoped3A_184 : memref<!tpu.dma_semaphore, #tpu.memory_space<semaphore_mem>>)
      %dma_wait3A_193 = arith.constant 0 : i32
      %dma_wait3A_194 = tpu.memref_slice %arg8[%run_scoped3A_22, %dma_wait3A_193] : memref<8x128xi32, #tpu.memory_space<vmem>> -> memref<1x128xi32, #tpu.memory_space<vmem>>
      %dma_wait3A_195 = tpu.memref_squeeze %dma_wait3A_194 : memref<1x128xi32, #tpu.memory_space<vmem>> -> memref<128xi32, #tpu.memory_space<vmem>>
      %dma_wait3A_196 = tpu.memref_slice %arg4[%add3A_21] : memref<16384xi32, #tpu.memory_space<hbm>> -> memref<128xi32, #tpu.memory_space<hbm>>
      %dma_wait3A_197 = arith.constant 0 : i32
      %dma_wait3A_198 = tpu.memref_slice %arg8[%run_scoped3A_22, %dma_wait3A_197] : memref<8x128xi32, #tpu.memory_space<vmem>> -> memref<1x128xi32, #tpu.memory_space<vmem>>
      %dma_wait3A_199 = tpu.memref_squeeze %dma_wait3A_198 : memref<1x128xi32, #tpu.memory_space<vmem>> -> memref<128xi32, #tpu.memory_space<vmem>>
      %dma_wait3A_200 = tpu.memref_slice %arg4[%add3A_21] : memref<16384xi32, #tpu.memory_space<hbm>> -> memref<128xi32, #tpu.memory_space<hbm>>
      tpu.wait_dma2 semaphore(%run_scoped3A_184 : memref<!tpu.dma_semaphore, #tpu.memory_space<semaphore_mem>>) src(%dma_wait3A_200 : memref<128xi32, #tpu.memory_space<hbm>>) dst(%dma_wait3A_199 : memref<128xi32, #tpu.memory_space<vmem>>)
      tpu.yield
    }) : () -> ()
    %add3A_23 = arith.constant 384 : i32
    %add3A_24 = arith.addi %mul3A_2, %add3A_23 : i32
    %run_scoped3A_25 = arith.constant 7 : i32
    "tpu.region"() ({
      %run_scoped3A_184 = tpu.sem_alloc : memref<!tpu.dma_semaphore, #tpu.memory_space<semaphore_mem>>
      %dma_start3A_185 = arith.constant 0 : i32
      %dma_start3A_186 = tpu.memref_slice %arg8[%run_scoped3A_25, %dma_start3A_185] : memref<8x128xi32, #tpu.memory_space<vmem>> -> memref<1x128xi32, #tpu.memory_space<vmem>>
      %dma_start3A_187 = tpu.memref_squeeze %dma_start3A_186 : memref<1x128xi32, #tpu.memory_space<vmem>> -> memref<128xi32, #tpu.memory_space<vmem>>
      %dma_start3A_188 = tpu.memref_slice %arg5[%add3A_24] : memref<16384xi32, #tpu.memory_space<hbm>> -> memref<128xi32, #tpu.memory_space<hbm>>
      %dma_start3A_189 = arith.constant 0 : i32
      %dma_start3A_190 = tpu.memref_slice %arg8[%run_scoped3A_25, %dma_start3A_189] : memref<8x128xi32, #tpu.memory_space<vmem>> -> memref<1x128xi32, #tpu.memory_space<vmem>>
      %dma_start3A_191 = tpu.memref_squeeze %dma_start3A_190 : memref<1x128xi32, #tpu.memory_space<vmem>> -> memref<128xi32, #tpu.memory_space<vmem>>
      %dma_start3A_192 = tpu.memref_slice %arg5[%add3A_24] : memref<16384xi32, #tpu.memory_space<hbm>> -> memref<128xi32, #tpu.memory_space<hbm>>
      tpu.enqueue_dma source(%dma_start3A_192 : memref<128xi32, #tpu.memory_space<hbm>>) target(%dma_start3A_191 : memref<128xi32, #tpu.memory_space<vmem>>) target_semaphore(%run_scoped3A_184 : memref<!tpu.dma_semaphore, #tpu.memory_space<semaphore_mem>>)
      %dma_wait3A_193 = arith.constant 0 : i32
      %dma_wait3A_194 = tpu.memref_slice %arg8[%run_scoped3A_25, %dma_wait3A_193] : memref<8x128xi32, #tpu.memory_space<vmem>> -> memref<1x128xi32, #tpu.memory_space<vmem>>
      %dma_wait3A_195 = tpu.memref_squeeze %dma_wait3A_194 : memref<1x128xi32, #tpu.memory_space<vmem>> -> memref<128xi32, #tpu.memory_space<vmem>>
      %dma_wait3A_196 = tpu.memref_slice %arg5[%add3A_24] : memref<16384xi32, #tpu.memory_space<hbm>> -> memref<128xi32, #tpu.memory_space<hbm>>
      %dma_wait3A_197 = arith.constant 0 : i32
      %dma_wait3A_198 = tpu.memref_slice %arg8[%run_scoped3A_25, %dma_wait3A_197] : memref<8x128xi32, #tpu.memory_space<vmem>> -> memref<1x128xi32, #tpu.memory_space<vmem>>
      %dma_wait3A_199 = tpu.memref_squeeze %dma_wait3A_198 : memref<1x128xi32, #tpu.memory_space<vmem>> -> memref<128xi32, #tpu.memory_space<vmem>>
      %dma_wait3A_200 = tpu.memref_slice %arg5[%add3A_24] : memref<16384xi32, #tpu.memory_space<hbm>> -> memref<128xi32, #tpu.memory_space<hbm>>
      tpu.wait_dma2 semaphore(%run_scoped3A_184 : memref<!tpu.dma_semaphore, #tpu.memory_space<semaphore_mem>>) src(%dma_wait3A_200 : memref<128xi32, #tpu.memory_space<hbm>>) dst(%dma_wait3A_199 : memref<128xi32, #tpu.memory_space<vmem>>)
      tpu.yield
    }) : () -> ()
    %dma_start3A = arith.constant 0 : i32
    %dma_start3A_26 = arith.constant 0 : i32
    %dma_start3A_27 = arith.constant 0 : i32
    %dma_start3A_28 = tpu.memref_slice %arg9[%dma_start3A_26, %dma_start3A_27] : memref<512x32xf32, #tpu.memory_space<vmem>> -> memref<128x32xf32, #tpu.memory_space<vmem>>
    %dma_start3A_29 = arith.constant 0 : i32
    %dma_start3A_30 = tpu.memref_slice %arg8[%dma_start3A, %dma_start3A_29] : memref<8x128xi32, #tpu.memory_space<vmem>> -> memref<1x128xi32, #tpu.memory_space<vmem>>
    %dma_start3A_31 = tpu.memref_squeeze %dma_start3A_30 : memref<1x128xi32, #tpu.memory_space<vmem>> -> memref<128xi32, #tpu.memory_space<vmem>>
    %dma_start3A_32 = arith.constant 0 : i32
    %dma_start3A_33 = arith.constant 0 : i32
    %dma_start3A_34 = tpu.memref_slice %arg2[%dma_start3A_32, %dma_start3A_33] : memref<1000000x32xf32, #tpu.memory_space<hbm>> -> memref<1000000x32xf32, #tpu.memory_space<hbm>>
    tpu.enqueue_indirect_dma source(%dma_start3A_34 : memref<1000000x32xf32, #tpu.memory_space<hbm>>) target(%dma_start3A_28 : memref<128x32xf32, #tpu.memory_space<vmem>>) offsets(%dma_start3A_31 : memref<128xi32, #tpu.memory_space<vmem>>) semaphore(%arg11 : memref<!tpu.dma_semaphore, #tpu.memory_space<semaphore_mem>>)
    %dma_start3A_35 = arith.constant 1 : i32
    %dma_start3A_36 = arith.constant 128 : i32
    %dma_start3A_37 = arith.constant 0 : i32
    %dma_start3A_38 = tpu.memref_slice %arg9[%dma_start3A_36, %dma_start3A_37] : memref<512x32xf32, #tpu.memory_space<vmem>> -> memref<128x32xf32, #tpu.memory_space<vmem>>
    %dma_start3A_39 = arith.constant 0 : i32
    %dma_start3A_40 = tpu.memref_slice %arg8[%dma_start3A_35, %dma_start3A_39] : memref<8x128xi32, #tpu.memory_space<vmem>> -> memref<1x128xi32, #tpu.memory_space<vmem>>
    %dma_start3A_41 = tpu.memref_squeeze %dma_start3A_40 : memref<1x128xi32, #tpu.memory_space<vmem>> -> memref<128xi32, #tpu.memory_space<vmem>>
    %dma_start3A_42 = arith.constant 0 : i32
    %dma_start3A_43 = arith.constant 0 : i32
    %dma_start3A_44 = tpu.memref_slice %arg2[%dma_start3A_42, %dma_start3A_43] : memref<1000000x32xf32, #tpu.memory_space<hbm>> -> memref<1000000x32xf32, #tpu.memory_space<hbm>>
    tpu.enqueue_indirect_dma source(%dma_start3A_44 : memref<1000000x32xf32, #tpu.memory_space<hbm>>) target(%dma_start3A_38 : memref<128x32xf32, #tpu.memory_space<vmem>>) offsets(%dma_start3A_41 : memref<128xi32, #tpu.memory_space<vmem>>) semaphore(%arg11 : memref<!tpu.dma_semaphore, #tpu.memory_space<semaphore_mem>>)
    %dma_start3A_45 = arith.constant 2 : i32
    %dma_start3A_46 = arith.constant 256 : i32
    %dma_start3A_47 = arith.constant 0 : i32
    %dma_start3A_48 = tpu.memref_slice %arg9[%dma_start3A_46, %dma_start3A_47] : memref<512x32xf32, #tpu.memory_space<vmem>> -> memref<128x32xf32, #tpu.memory_space<vmem>>
    %dma_start3A_49 = arith.constant 0 : i32
    %dma_start3A_50 = tpu.memref_slice %arg8[%dma_start3A_45, %dma_start3A_49] : memref<8x128xi32, #tpu.memory_space<vmem>> -> memref<1x128xi32, #tpu.memory_space<vmem>>
    %dma_start3A_51 = tpu.memref_squeeze %dma_start3A_50 : memref<1x128xi32, #tpu.memory_space<vmem>> -> memref<128xi32, #tpu.memory_space<vmem>>
    %dma_start3A_52 = arith.constant 0 : i32
    %dma_start3A_53 = arith.constant 0 : i32
    %dma_start3A_54 = tpu.memref_slice %arg2[%dma_start3A_52, %dma_start3A_53] : memref<1000000x32xf32, #tpu.memory_space<hbm>> -> memref<1000000x32xf32, #tpu.memory_space<hbm>>
    tpu.enqueue_indirect_dma source(%dma_start3A_54 : memref<1000000x32xf32, #tpu.memory_space<hbm>>) target(%dma_start3A_48 : memref<128x32xf32, #tpu.memory_space<vmem>>) offsets(%dma_start3A_51 : memref<128xi32, #tpu.memory_space<vmem>>) semaphore(%arg11 : memref<!tpu.dma_semaphore, #tpu.memory_space<semaphore_mem>>)
    %dma_start3A_55 = arith.constant 3 : i32
    %dma_start3A_56 = arith.constant 384 : i32
    %dma_start3A_57 = arith.constant 0 : i32
    %dma_start3A_58 = tpu.memref_slice %arg9[%dma_start3A_56, %dma_start3A_57] : memref<512x32xf32, #tpu.memory_space<vmem>> -> memref<128x32xf32, #tpu.memory_space<vmem>>
    %dma_start3A_59 = arith.constant 0 : i32
    %dma_start3A_60 = tpu.memref_slice %arg8[%dma_start3A_55, %dma_start3A_59] : memref<8x128xi32, #tpu.memory_space<vmem>> -> memref<1x128xi32, #tpu.memory_space<vmem>>
    %dma_start3A_61 = tpu.memref_squeeze %dma_start3A_60 : memref<1x128xi32, #tpu.memory_space<vmem>> -> memref<128xi32, #tpu.memory_space<vmem>>
    %dma_start3A_62 = arith.constant 0 : i32
    %dma_start3A_63 = arith.constant 0 : i32
    %dma_start3A_64 = tpu.memref_slice %arg2[%dma_start3A_62, %dma_start3A_63] : memref<1000000x32xf32, #tpu.memory_space<hbm>> -> memref<1000000x32xf32, #tpu.memory_space<hbm>>
    tpu.enqueue_indirect_dma source(%dma_start3A_64 : memref<1000000x32xf32, #tpu.memory_space<hbm>>) target(%dma_start3A_58 : memref<128x32xf32, #tpu.memory_space<vmem>>) offsets(%dma_start3A_61 : memref<128xi32, #tpu.memory_space<vmem>>) semaphore(%arg11 : memref<!tpu.dma_semaphore, #tpu.memory_space<semaphore_mem>>)
    %dma_start3A_65 = arith.constant 4 : i32
    %dma_start3A_66 = arith.constant 0 : i32
    %dma_start3A_67 = arith.constant 0 : i32
    %dma_start3A_68 = tpu.memref_slice %arg10[%dma_start3A_66, %dma_start3A_67] : memref<512x32xf32, #tpu.memory_space<vmem>> -> memref<128x32xf32, #tpu.memory_space<vmem>>
    %dma_start3A_69 = arith.constant 0 : i32
    %dma_start3A_70 = tpu.memref_slice %arg8[%dma_start3A_65, %dma_start3A_69] : memref<8x128xi32, #tpu.memory_space<vmem>> -> memref<1x128xi32, #tpu.memory_space<vmem>>
    %dma_start3A_71 = tpu.memref_squeeze %dma_start3A_70 : memref<1x128xi32, #tpu.memory_space<vmem>> -> memref<128xi32, #tpu.memory_space<vmem>>
    %dma_start3A_72 = arith.constant 0 : i32
    %dma_start3A_73 = arith.constant 0 : i32
    %dma_start3A_74 = tpu.memref_slice %arg3[%dma_start3A_72, %dma_start3A_73] : memref<1000000x32xf32, #tpu.memory_space<hbm>> -> memref<1000000x32xf32, #tpu.memory_space<hbm>>
    tpu.enqueue_indirect_dma source(%dma_start3A_74 : memref<1000000x32xf32, #tpu.memory_space<hbm>>) target(%dma_start3A_68 : memref<128x32xf32, #tpu.memory_space<vmem>>) offsets(%dma_start3A_71 : memref<128xi32, #tpu.memory_space<vmem>>) semaphore(%arg11 : memref<!tpu.dma_semaphore, #tpu.memory_space<semaphore_mem>>)
    %dma_start3A_75 = arith.constant 5 : i32
    %dma_start3A_76 = arith.constant 128 : i32
    %dma_start3A_77 = arith.constant 0 : i32
    %dma_start3A_78 = tpu.memref_slice %arg10[%dma_start3A_76, %dma_start3A_77] : memref<512x32xf32, #tpu.memory_space<vmem>> -> memref<128x32xf32, #tpu.memory_space<vmem>>
    %dma_start3A_79 = arith.constant 0 : i32
    %dma_start3A_80 = tpu.memref_slice %arg8[%dma_start3A_75, %dma_start3A_79] : memref<8x128xi32, #tpu.memory_space<vmem>> -> memref<1x128xi32, #tpu.memory_space<vmem>>
    %dma_start3A_81 = tpu.memref_squeeze %dma_start3A_80 : memref<1x128xi32, #tpu.memory_space<vmem>> -> memref<128xi32, #tpu.memory_space<vmem>>
    %dma_start3A_82 = arith.constant 0 : i32
    %dma_start3A_83 = arith.constant 0 : i32
    %dma_start3A_84 = tpu.memref_slice %arg3[%dma_start3A_82, %dma_start3A_83] : memref<1000000x32xf32, #tpu.memory_space<hbm>> -> memref<1000000x32xf32, #tpu.memory_space<hbm>>
    tpu.enqueue_indirect_dma source(%dma_start3A_84 : memref<1000000x32xf32, #tpu.memory_space<hbm>>) target(%dma_start3A_78 : memref<128x32xf32, #tpu.memory_space<vmem>>) offsets(%dma_start3A_81 : memref<128xi32, #tpu.memory_space<vmem>>) semaphore(%arg11 : memref<!tpu.dma_semaphore, #tpu.memory_space<semaphore_mem>>)
    %dma_start3A_85 = arith.constant 6 : i32
    %dma_start3A_86 = arith.constant 256 : i32
    %dma_start3A_87 = arith.constant 0 : i32
    %dma_start3A_88 = tpu.memref_slice %arg10[%dma_start3A_86, %dma_start3A_87] : memref<512x32xf32, #tpu.memory_space<vmem>> -> memref<128x32xf32, #tpu.memory_space<vmem>>
    %dma_start3A_89 = arith.constant 0 : i32
    %dma_start3A_90 = tpu.memref_slice %arg8[%dma_start3A_85, %dma_start3A_89] : memref<8x128xi32, #tpu.memory_space<vmem>> -> memref<1x128xi32, #tpu.memory_space<vmem>>
    %dma_start3A_91 = tpu.memref_squeeze %dma_start3A_90 : memref<1x128xi32, #tpu.memory_space<vmem>> -> memref<128xi32, #tpu.memory_space<vmem>>
    %dma_start3A_92 = arith.constant 0 : i32
    %dma_start3A_93 = arith.constant 0 : i32
    %dma_start3A_94 = tpu.memref_slice %arg3[%dma_start3A_92, %dma_start3A_93] : memref<1000000x32xf32, #tpu.memory_space<hbm>> -> memref<1000000x32xf32, #tpu.memory_space<hbm>>
    tpu.enqueue_indirect_dma source(%dma_start3A_94 : memref<1000000x32xf32, #tpu.memory_space<hbm>>) target(%dma_start3A_88 : memref<128x32xf32, #tpu.memory_space<vmem>>) offsets(%dma_start3A_91 : memref<128xi32, #tpu.memory_space<vmem>>) semaphore(%arg11 : memref<!tpu.dma_semaphore, #tpu.memory_space<semaphore_mem>>)
    %dma_start3A_95 = arith.constant 7 : i32
    %dma_start3A_96 = arith.constant 384 : i32
    %dma_start3A_97 = arith.constant 0 : i32
    %dma_start3A_98 = tpu.memref_slice %arg10[%dma_start3A_96, %dma_start3A_97] : memref<512x32xf32, #tpu.memory_space<vmem>> -> memref<128x32xf32, #tpu.memory_space<vmem>>
    %dma_start3A_99 = arith.constant 0 : i32
    %dma_start3A_100 = tpu.memref_slice %arg8[%dma_start3A_95, %dma_start3A_99] : memref<8x128xi32, #tpu.memory_space<vmem>> -> memref<1x128xi32, #tpu.memory_space<vmem>>
    %dma_start3A_101 = tpu.memref_squeeze %dma_start3A_100 : memref<1x128xi32, #tpu.memory_space<vmem>> -> memref<128xi32, #tpu.memory_space<vmem>>
    %dma_start3A_102 = arith.constant 0 : i32
    %dma_start3A_103 = arith.constant 0 : i32
    %dma_start3A_104 = tpu.memref_slice %arg3[%dma_start3A_102, %dma_start3A_103] : memref<1000000x32xf32, #tpu.memory_space<hbm>> -> memref<1000000x32xf32, #tpu.memory_space<hbm>>
    tpu.enqueue_indirect_dma source(%dma_start3A_104 : memref<1000000x32xf32, #tpu.memory_space<hbm>>) target(%dma_start3A_98 : memref<128x32xf32, #tpu.memory_space<vmem>>) offsets(%dma_start3A_101 : memref<128xi32, #tpu.memory_space<vmem>>) semaphore(%arg11 : memref<!tpu.dma_semaphore, #tpu.memory_space<semaphore_mem>>)
    %dma_wait3A = arith.constant 0 : i32
    %dma_wait3A_105 = arith.constant 0 : i32
    %dma_wait3A_106 = arith.constant 0 : i32
    %dma_wait3A_107 = tpu.memref_slice %arg9[%dma_wait3A_105, %dma_wait3A_106] : memref<512x32xf32, #tpu.memory_space<vmem>> -> memref<128x32xf32, #tpu.memory_space<vmem>>
    %dma_wait3A_108 = arith.constant 0 : i32
    %dma_wait3A_109 = tpu.memref_slice %arg8[%dma_wait3A, %dma_wait3A_108] : memref<8x128xi32, #tpu.memory_space<vmem>> -> memref<1x128xi32, #tpu.memory_space<vmem>>
    %dma_wait3A_110 = tpu.memref_squeeze %dma_wait3A_109 : memref<1x128xi32, #tpu.memory_space<vmem>> -> memref<128xi32, #tpu.memory_space<vmem>>
    %dma_wait3A_111 = arith.constant 0 : i32
    %dma_wait3A_112 = arith.constant 0 : i32
    %dma_wait3A_113 = tpu.memref_slice %arg2[%dma_wait3A_111, %dma_wait3A_112] : memref<1000000x32xf32, #tpu.memory_space<hbm>> -> memref<1000000x32xf32, #tpu.memory_space<hbm>>
    tpu.wait_indirect_dma semaphore(%arg11 : memref<!tpu.dma_semaphore, #tpu.memory_space<semaphore_mem>>) src(%dma_wait3A_113 : memref<1000000x32xf32, #tpu.memory_space<hbm>>) dst(%dma_wait3A_107 : memref<128x32xf32, #tpu.memory_space<vmem>>)
    %dma_wait3A_114 = arith.constant 1 : i32
    %dma_wait3A_115 = arith.constant 128 : i32
    %dma_wait3A_116 = arith.constant 0 : i32
    %dma_wait3A_117 = tpu.memref_slice %arg9[%dma_wait3A_115, %dma_wait3A_116] : memref<512x32xf32, #tpu.memory_space<vmem>> -> memref<128x32xf32, #tpu.memory_space<vmem>>
    %dma_wait3A_118 = arith.constant 0 : i32
    %dma_wait3A_119 = tpu.memref_slice %arg8[%dma_wait3A_114, %dma_wait3A_118] : memref<8x128xi32, #tpu.memory_space<vmem>> -> memref<1x128xi32, #tpu.memory_space<vmem>>
    %dma_wait3A_120 = tpu.memref_squeeze %dma_wait3A_119 : memref<1x128xi32, #tpu.memory_space<vmem>> -> memref<128xi32, #tpu.memory_space<vmem>>
    %dma_wait3A_121 = arith.constant 0 : i32
    %dma_wait3A_122 = arith.constant 0 : i32
    %dma_wait3A_123 = tpu.memref_slice %arg2[%dma_wait3A_121, %dma_wait3A_122] : memref<1000000x32xf32, #tpu.memory_space<hbm>> -> memref<1000000x32xf32, #tpu.memory_space<hbm>>
    tpu.wait_indirect_dma semaphore(%arg11 : memref<!tpu.dma_semaphore, #tpu.memory_space<semaphore_mem>>) src(%dma_wait3A_123 : memref<1000000x32xf32, #tpu.memory_space<hbm>>) dst(%dma_wait3A_117 : memref<128x32xf32, #tpu.memory_space<vmem>>)
    %dma_wait3A_124 = arith.constant 2 : i32
    %dma_wait3A_125 = arith.constant 256 : i32
    %dma_wait3A_126 = arith.constant 0 : i32
    %dma_wait3A_127 = tpu.memref_slice %arg9[%dma_wait3A_125, %dma_wait3A_126] : memref<512x32xf32, #tpu.memory_space<vmem>> -> memref<128x32xf32, #tpu.memory_space<vmem>>
    %dma_wait3A_128 = arith.constant 0 : i32
    %dma_wait3A_129 = tpu.memref_slice %arg8[%dma_wait3A_124, %dma_wait3A_128] : memref<8x128xi32, #tpu.memory_space<vmem>> -> memref<1x128xi32, #tpu.memory_space<vmem>>
    %dma_wait3A_130 = tpu.memref_squeeze %dma_wait3A_129 : memref<1x128xi32, #tpu.memory_space<vmem>> -> memref<128xi32, #tpu.memory_space<vmem>>
    %dma_wait3A_131 = arith.constant 0 : i32
    %dma_wait3A_132 = arith.constant 0 : i32
    %dma_wait3A_133 = tpu.memref_slice %arg2[%dma_wait3A_131, %dma_wait3A_132] : memref<1000000x32xf32, #tpu.memory_space<hbm>> -> memref<1000000x32xf32, #tpu.memory_space<hbm>>
    tpu.wait_indirect_dma semaphore(%arg11 : memref<!tpu.dma_semaphore, #tpu.memory_space<semaphore_mem>>) src(%dma_wait3A_133 : memref<1000000x32xf32, #tpu.memory_space<hbm>>) dst(%dma_wait3A_127 : memref<128x32xf32, #tpu.memory_space<vmem>>)
    %dma_wait3A_134 = arith.constant 3 : i32
    %dma_wait3A_135 = arith.constant 384 : i32
    %dma_wait3A_136 = arith.constant 0 : i32
    %dma_wait3A_137 = tpu.memref_slice %arg9[%dma_wait3A_135, %dma_wait3A_136] : memref<512x32xf32, #tpu.memory_space<vmem>> -> memref<128x32xf32, #tpu.memory_space<vmem>>
    %dma_wait3A_138 = arith.constant 0 : i32
    %dma_wait3A_139 = tpu.memref_slice %arg8[%dma_wait3A_134, %dma_wait3A_138] : memref<8x128xi32, #tpu.memory_space<vmem>> -> memref<1x128xi32, #tpu.memory_space<vmem>>
    %dma_wait3A_140 = tpu.memref_squeeze %dma_wait3A_139 : memref<1x128xi32, #tpu.memory_space<vmem>> -> memref<128xi32, #tpu.memory_space<vmem>>
    %dma_wait3A_141 = arith.constant 0 : i32
    %dma_wait3A_142 = arith.constant 0 : i32
    %dma_wait3A_143 = tpu.memref_slice %arg2[%dma_wait3A_141, %dma_wait3A_142] : memref<1000000x32xf32, #tpu.memory_space<hbm>> -> memref<1000000x32xf32, #tpu.memory_space<hbm>>
    tpu.wait_indirect_dma semaphore(%arg11 : memref<!tpu.dma_semaphore, #tpu.memory_space<semaphore_mem>>) src(%dma_wait3A_143 : memref<1000000x32xf32, #tpu.memory_space<hbm>>) dst(%dma_wait3A_137 : memref<128x32xf32, #tpu.memory_space<vmem>>)
    %dma_wait3A_144 = arith.constant 4 : i32
    %dma_wait3A_145 = arith.constant 0 : i32
    %dma_wait3A_146 = arith.constant 0 : i32
    %dma_wait3A_147 = tpu.memref_slice %arg10[%dma_wait3A_145, %dma_wait3A_146] : memref<512x32xf32, #tpu.memory_space<vmem>> -> memref<128x32xf32, #tpu.memory_space<vmem>>
    %dma_wait3A_148 = arith.constant 0 : i32
    %dma_wait3A_149 = tpu.memref_slice %arg8[%dma_wait3A_144, %dma_wait3A_148] : memref<8x128xi32, #tpu.memory_space<vmem>> -> memref<1x128xi32, #tpu.memory_space<vmem>>
    %dma_wait3A_150 = tpu.memref_squeeze %dma_wait3A_149 : memref<1x128xi32, #tpu.memory_space<vmem>> -> memref<128xi32, #tpu.memory_space<vmem>>
    %dma_wait3A_151 = arith.constant 0 : i32
    %dma_wait3A_152 = arith.constant 0 : i32
    %dma_wait3A_153 = tpu.memref_slice %arg3[%dma_wait3A_151, %dma_wait3A_152] : memref<1000000x32xf32, #tpu.memory_space<hbm>> -> memref<1000000x32xf32, #tpu.memory_space<hbm>>
    tpu.wait_indirect_dma semaphore(%arg11 : memref<!tpu.dma_semaphore, #tpu.memory_space<semaphore_mem>>) src(%dma_wait3A_153 : memref<1000000x32xf32, #tpu.memory_space<hbm>>) dst(%dma_wait3A_147 : memref<128x32xf32, #tpu.memory_space<vmem>>)
    %dma_wait3A_154 = arith.constant 5 : i32
    %dma_wait3A_155 = arith.constant 128 : i32
    %dma_wait3A_156 = arith.constant 0 : i32
    %dma_wait3A_157 = tpu.memref_slice %arg10[%dma_wait3A_155, %dma_wait3A_156] : memref<512x32xf32, #tpu.memory_space<vmem>> -> memref<128x32xf32, #tpu.memory_space<vmem>>
    %dma_wait3A_158 = arith.constant 0 : i32
    %dma_wait3A_159 = tpu.memref_slice %arg8[%dma_wait3A_154, %dma_wait3A_158] : memref<8x128xi32, #tpu.memory_space<vmem>> -> memref<1x128xi32, #tpu.memory_space<vmem>>
    %dma_wait3A_160 = tpu.memref_squeeze %dma_wait3A_159 : memref<1x128xi32, #tpu.memory_space<vmem>> -> memref<128xi32, #tpu.memory_space<vmem>>
    %dma_wait3A_161 = arith.constant 0 : i32
    %dma_wait3A_162 = arith.constant 0 : i32
    %dma_wait3A_163 = tpu.memref_slice %arg3[%dma_wait3A_161, %dma_wait3A_162] : memref<1000000x32xf32, #tpu.memory_space<hbm>> -> memref<1000000x32xf32, #tpu.memory_space<hbm>>
    tpu.wait_indirect_dma semaphore(%arg11 : memref<!tpu.dma_semaphore, #tpu.memory_space<semaphore_mem>>) src(%dma_wait3A_163 : memref<1000000x32xf32, #tpu.memory_space<hbm>>) dst(%dma_wait3A_157 : memref<128x32xf32, #tpu.memory_space<vmem>>)
    %dma_wait3A_164 = arith.constant 6 : i32
    %dma_wait3A_165 = arith.constant 256 : i32
    %dma_wait3A_166 = arith.constant 0 : i32
    %dma_wait3A_167 = tpu.memref_slice %arg10[%dma_wait3A_165, %dma_wait3A_166] : memref<512x32xf32, #tpu.memory_space<vmem>> -> memref<128x32xf32, #tpu.memory_space<vmem>>
    %dma_wait3A_168 = arith.constant 0 : i32
    %dma_wait3A_169 = tpu.memref_slice %arg8[%dma_wait3A_164, %dma_wait3A_168] : memref<8x128xi32, #tpu.memory_space<vmem>> -> memref<1x128xi32, #tpu.memory_space<vmem>>
    %dma_wait3A_170 = tpu.memref_squeeze %dma_wait3A_169 : memref<1x128xi32, #tpu.memory_space<vmem>> -> memref<128xi32, #tpu.memory_space<vmem>>
    %dma_wait3A_171 = arith.constant 0 : i32
    %dma_wait3A_172 = arith.constant 0 : i32
    %dma_wait3A_173 = tpu.memref_slice %arg3[%dma_wait3A_171, %dma_wait3A_172] : memref<1000000x32xf32, #tpu.memory_space<hbm>> -> memref<1000000x32xf32, #tpu.memory_space<hbm>>
    tpu.wait_indirect_dma semaphore(%arg11 : memref<!tpu.dma_semaphore, #tpu.memory_space<semaphore_mem>>) src(%dma_wait3A_173 : memref<1000000x32xf32, #tpu.memory_space<hbm>>) dst(%dma_wait3A_167 : memref<128x32xf32, #tpu.memory_space<vmem>>)
    %dma_wait3A_174 = arith.constant 7 : i32
    %dma_wait3A_175 = arith.constant 384 : i32
    %dma_wait3A_176 = arith.constant 0 : i32
    %dma_wait3A_177 = tpu.memref_slice %arg10[%dma_wait3A_175, %dma_wait3A_176] : memref<512x32xf32, #tpu.memory_space<vmem>> -> memref<128x32xf32, #tpu.memory_space<vmem>>
    %dma_wait3A_178 = arith.constant 0 : i32
    %dma_wait3A_179 = tpu.memref_slice %arg8[%dma_wait3A_174, %dma_wait3A_178] : memref<8x128xi32, #tpu.memory_space<vmem>> -> memref<1x128xi32, #tpu.memory_space<vmem>>
    %dma_wait3A_180 = tpu.memref_squeeze %dma_wait3A_179 : memref<1x128xi32, #tpu.memory_space<vmem>> -> memref<128xi32, #tpu.memory_space<vmem>>
    %dma_wait3A_181 = arith.constant 0 : i32
    %dma_wait3A_182 = arith.constant 0 : i32
    %dma_wait3A_183 = tpu.memref_slice %arg3[%dma_wait3A_181, %dma_wait3A_182] : memref<1000000x32xf32, #tpu.memory_space<hbm>> -> memref<1000000x32xf32, #tpu.memory_space<hbm>>
    tpu.wait_indirect_dma semaphore(%arg11 : memref<!tpu.dma_semaphore, #tpu.memory_space<semaphore_mem>>) src(%dma_wait3A_183 : memref<1000000x32xf32, #tpu.memory_space<hbm>>) dst(%dma_wait3A_177 : memref<128x32xf32, #tpu.memory_space<vmem>>)
    "tpu.region"() ({
      %run_scoped3A_184 = tpu.sem_alloc : memref<!tpu.dma_semaphore, #tpu.memory_space<semaphore_mem>>
      %dma_start3A_185 = arith.constant 0 : i32
      %dma_start3A_186 = tpu.memref_slice %arg6[%mul3A_2, %dma_start3A_185] : memref<16384x32xf32, #tpu.memory_space<hbm>> -> memref<512x32xf32, #tpu.memory_space<hbm>>
      %dma_start3A_187 = arith.constant 0 : i32
      %dma_start3A_188 = tpu.memref_slice %arg6[%mul3A_2, %dma_start3A_187] : memref<16384x32xf32, #tpu.memory_space<hbm>> -> memref<512x32xf32, #tpu.memory_space<hbm>>
      tpu.enqueue_dma source(%arg9 : memref<512x32xf32, #tpu.memory_space<vmem>>) target(%dma_start3A_188 : memref<512x32xf32, #tpu.memory_space<hbm>>) target_semaphore(%run_scoped3A_184 : memref<!tpu.dma_semaphore, #tpu.memory_space<semaphore_mem>>)
      %dma_wait3A_189 = arith.constant 0 : i32
      %dma_wait3A_190 = tpu.memref_slice %arg6[%mul3A_2, %dma_wait3A_189] : memref<16384x32xf32, #tpu.memory_space<hbm>> -> memref<512x32xf32, #tpu.memory_space<hbm>>
      %dma_wait3A_191 = arith.constant 0 : i32
      %dma_wait3A_192 = tpu.memref_slice %arg6[%mul3A_2, %dma_wait3A_191] : memref<16384x32xf32, #tpu.memory_space<hbm>> -> memref<512x32xf32, #tpu.memory_space<hbm>>
      tpu.wait_dma2 semaphore(%run_scoped3A_184 : memref<!tpu.dma_semaphore, #tpu.memory_space<semaphore_mem>>) src(%arg9 : memref<512x32xf32, #tpu.memory_space<vmem>>) dst(%dma_wait3A_192 : memref<512x32xf32, #tpu.memory_space<hbm>>)
      tpu.yield
    }) : () -> ()
    "tpu.region"() ({
      %run_scoped3A_184 = tpu.sem_alloc : memref<!tpu.dma_semaphore, #tpu.memory_space<semaphore_mem>>
      %dma_start3A_185 = arith.constant 0 : i32
      %dma_start3A_186 = tpu.memref_slice %arg7[%mul3A_2, %dma_start3A_185] : memref<16384x32xf32, #tpu.memory_space<hbm>> -> memref<512x32xf32, #tpu.memory_space<hbm>>
      %dma_start3A_187 = arith.constant 0 : i32
      %dma_start3A_188 = tpu.memref_slice %arg7[%mul3A_2, %dma_start3A_187] : memref<16384x32xf32, #tpu.memory_space<hbm>> -> memref<512x32xf32, #tpu.memory_space<hbm>>
      tpu.enqueue_dma source(%arg10 : memref<512x32xf32, #tpu.memory_space<vmem>>) target(%dma_start3A_188 : memref<512x32xf32, #tpu.memory_space<hbm>>) target_semaphore(%run_scoped3A_184 : memref<!tpu.dma_semaphore, #tpu.memory_space<semaphore_mem>>)
      %dma_wait3A_189 = arith.constant 0 : i32
      %dma_wait3A_190 = tpu.memref_slice %arg7[%mul3A_2, %dma_wait3A_189] : memref<16384x32xf32, #tpu.memory_space<hbm>> -> memref<512x32xf32, #tpu.memory_space<hbm>>
      %dma_wait3A_191 = arith.constant 0 : i32
      %dma_wait3A_192 = tpu.memref_slice %arg7[%mul3A_2, %dma_wait3A_191] : memref<16384x32xf32, #tpu.memory_space<hbm>> -> memref<512x32xf32, #tpu.memory_space<hbm>>
      tpu.wait_dma2 semaphore(%run_scoped3A_184 : memref<!tpu.dma_semaphore, #tpu.memory_space<semaphore_mem>>) src(%arg10 : memref<512x32xf32, #tpu.memory_space<vmem>>) dst(%dma_wait3A_192 : memref<512x32xf32, #tpu.memory_space<hbm>>)
      tpu.yield
    }) : () -> ()
    return
  }
}

module attributes {stable_mosaic.version = 14 : i64} {
  func.func @_mlp_body(%arg0: i32, %arg1: memref<2048x32xf32, #tpu.memory_space<vmem>>, %arg2: memref<2048x32xf32, #tpu.memory_space<vmem>>, %arg3: memref<32x64xf32, #tpu.memory_space<vmem>>, %arg4: memref<32x64xf32, #tpu.memory_space<vmem>>, %arg5: memref<1x64xf32, #tpu.memory_space<vmem>>, %arg6: memref<64x32xf32, #tpu.memory_space<vmem>>, %arg7: memref<1x32xf32, #tpu.memory_space<vmem>>, %arg8: memref<32x1xf32, #tpu.memory_space<vmem>>, %arg9: memref<1x1xf32, #tpu.memory_space<vmem>>, %arg10: memref<2048x1xf32, #tpu.memory_space<vmem>>) attributes {dimension_semantics = [#tpu.dimension_semantics<arbitrary>], iteration_bounds = array<i64: 8>, scalar_prefetch = 0 : i64, scratch_operands = 0 : i64, tpu.core_type = #tpu.core_type<tc>, window_params = [{transform_indices = @transform_0, window_bounds = array<i64: 2048, 32>}, {transform_indices = @transform_1, window_bounds = array<i64: 2048, 32>}, {pipeline_mode = #tpu.pipeline_mode<synchronous>, transform_indices = @transform_2, window_bounds = array<i64: 32, 64>}, {pipeline_mode = #tpu.pipeline_mode<synchronous>, transform_indices = @transform_3, window_bounds = array<i64: 32, 64>}, {pipeline_mode = #tpu.pipeline_mode<synchronous>, transform_indices = @transform_4, window_bounds = array<i64: 1, 64>}, {pipeline_mode = #tpu.pipeline_mode<synchronous>, transform_indices = @transform_5, window_bounds = array<i64: 64, 32>}, {pipeline_mode = #tpu.pipeline_mode<synchronous>, transform_indices = @transform_6, window_bounds = array<i64: 1, 32>}, {pipeline_mode = #tpu.pipeline_mode<synchronous>, transform_indices = @transform_7, window_bounds = array<i64: 32, 1>}, {pipeline_mode = #tpu.pipeline_mode<synchronous>, transform_indices = @transform_8, window_bounds = array<i64: 1, 1>}, {transform_indices = @transform_9, window_bounds = array<i64: 2048, 1>}]} {
    %get3A = arith.constant 0 : index
    %get3A_0 = arith.constant 0 : index
    %get3A_1 = vector.load %arg1[%get3A, %get3A_0] : memref<2048x32xf32, #tpu.memory_space<vmem>>, vector<2048x32xf32>
    %get3A_2 = arith.constant 0 : index
    %get3A_3 = arith.constant 0 : index
    %get3A_4 = vector.load %arg3[%get3A_2, %get3A_3] : memref<32x64xf32, #tpu.memory_space<vmem>>, vector<32x64xf32>
    %dot_general3A = arith.constant dense<0.000000e+00> : vector<2048x64xf32>
    %dot_general3A_5 = tpu.matmul %get3A_1, %get3A_4, %dot_general3A {dimension_numbers = #tpu.dot_dimension_numbers<[1], [0], [0], [1], [0, 0, 1, 1], [], []>, transpose_lhs_hint = false} : vector<2048x32xf32>, vector<32x64xf32>, vector<2048x64xf32> -> vector<2048x64xf32>
    %get3A_6 = arith.constant 0 : index
    %get3A_7 = arith.constant 0 : index
    %get3A_8 = vector.load %arg2[%get3A_6, %get3A_7] : memref<2048x32xf32, #tpu.memory_space<vmem>>, vector<2048x32xf32>
    %get3A_9 = arith.constant 0 : index
    %get3A_10 = arith.constant 0 : index
    %get3A_11 = vector.load %arg4[%get3A_9, %get3A_10] : memref<32x64xf32, #tpu.memory_space<vmem>>, vector<32x64xf32>
    %dot_general3A_12 = arith.constant dense<0.000000e+00> : vector<2048x64xf32>
    %dot_general3A_13 = tpu.matmul %get3A_8, %get3A_11, %dot_general3A_12 {dimension_numbers = #tpu.dot_dimension_numbers<[1], [0], [0], [1], [0, 0, 1, 1], [], []>, transpose_lhs_hint = false} : vector<2048x32xf32>, vector<32x64xf32>, vector<2048x64xf32> -> vector<2048x64xf32>
    %add3A = arith.addf %dot_general3A_5, %dot_general3A_13 : vector<2048x64xf32>
    %get3A_14 = arith.constant 0 : index
    %get3A_15 = arith.constant 0 : index
    %get3A_16 = vector.load %arg5[%get3A_14, %get3A_15] : memref<1x64xf32, #tpu.memory_space<vmem>>, vector<1x64xf32>
    %add3A_17 = vector.broadcast %get3A_16 : vector<1x64xf32> to vector<2048x64xf32>
    %add3A_18 = arith.addf %add3A, %add3A_17 : vector<2048x64xf32>
    %max3A = arith.constant 0.000000e+00 : f32
    %max3A_19 = vector.broadcast %max3A : f32 to vector<2048x64xf32>
    %max3A_20 = arith.maximumf %add3A_18, %max3A_19 : vector<2048x64xf32>
    %get3A_21 = arith.constant 0 : index
    %get3A_22 = arith.constant 0 : index
    %get3A_23 = vector.load %arg6[%get3A_21, %get3A_22] : memref<64x32xf32, #tpu.memory_space<vmem>>, vector<64x32xf32>
    %dot_general3A_24 = arith.constant dense<0.000000e+00> : vector<2048x32xf32>
    %dot_general3A_25 = tpu.matmul %max3A_20, %get3A_23, %dot_general3A_24 {dimension_numbers = #tpu.dot_dimension_numbers<[1], [0], [0], [1], [0, 0, 1, 1], [], []>, transpose_lhs_hint = false} : vector<2048x64xf32>, vector<64x32xf32>, vector<2048x32xf32> -> vector<2048x32xf32>
    %get3A_26 = arith.constant 0 : index
    %get3A_27 = arith.constant 0 : index
    %get3A_28 = vector.load %arg7[%get3A_26, %get3A_27] : memref<1x32xf32, #tpu.memory_space<vmem>>, vector<1x32xf32>
    %add3A_29 = vector.broadcast %get3A_28 : vector<1x32xf32> to vector<2048x32xf32>
    %add3A_30 = arith.addf %dot_general3A_25, %add3A_29 : vector<2048x32xf32>
    %max3A_31 = arith.constant 0.000000e+00 : f32
    %max3A_32 = vector.broadcast %max3A_31 : f32 to vector<2048x32xf32>
    %max3A_33 = arith.maximumf %add3A_30, %max3A_32 : vector<2048x32xf32>
    %get3A_34 = arith.constant 0 : index
    %get3A_35 = arith.constant 0 : index
    %get3A_36 = vector.load %arg8[%get3A_34, %get3A_35] : memref<32x1xf32, #tpu.memory_space<vmem>>, vector<32x1xf32>
    %dot_general3A_37 = arith.constant dense<0.000000e+00> : vector<2048x1xf32>
    %dot_general3A_38 = tpu.matmul %max3A_33, %get3A_36, %dot_general3A_37 {dimension_numbers = #tpu.dot_dimension_numbers<[1], [0], [0], [1], [0, 0, 1, 1], [], []>, transpose_lhs_hint = false} : vector<2048x32xf32>, vector<32x1xf32>, vector<2048x1xf32> -> vector<2048x1xf32>
    %get3A_39 = arith.constant 0 : index
    %get3A_40 = arith.constant 0 : index
    %get3A_41 = vector.load %arg9[%get3A_39, %get3A_40] : memref<1x1xf32, #tpu.memory_space<vmem>>, vector<1x1xf32>
    %add3A_42 = vector.broadcast %get3A_41 : vector<1x1xf32> to vector<2048x1xf32>
    %add3A_43 = arith.addf %dot_general3A_38, %add3A_42 : vector<2048x1xf32>
    %neg3A = arith.constant 0.000000e+00 : f32
    %neg3A_44 = vector.broadcast %neg3A : f32 to vector<2048x1xf32>
    %neg3A_45 = arith.subf %neg3A_44, %add3A_43 : vector<2048x1xf32>
    %exp3A = math.exp %neg3A_45 : vector<2048x1xf32>
    %add3A_46 = arith.constant 1.000000e+00 : f32
    %add3A_47 = vector.broadcast %add3A_46 : f32 to vector<2048x1xf32>
    %add3A_48 = arith.addf %add3A_47, %exp3A : vector<2048x1xf32>
    %div3A = arith.constant 4.000000e+00 : f32
    %div3A_49 = vector.broadcast %div3A : f32 to vector<2048x1xf32>
    %div3A_50 = arith.divf %div3A_49, %add3A_48 : vector<2048x1xf32>
    %add3A_51 = arith.constant 1.000000e+00 : f32
    %add3A_52 = vector.broadcast %add3A_51 : f32 to vector<2048x1xf32>
    %add3A_53 = arith.addf %div3A_50, %add3A_52 : vector<2048x1xf32>
    %swap3A = arith.constant 0 : index
    %swap3A_54 = arith.constant 0 : index
    %swap3A_55 = vector.load %arg10[%swap3A, %swap3A_54] : memref<2048x1xf32, #tpu.memory_space<vmem>>, vector<2048x1xf32>
    tpu.vector_store %arg10[%swap3A, %swap3A_54], %add3A_53 {strides = array<i32>} : memref<2048x1xf32, #tpu.memory_space<vmem>>, vector<2048x1xf32>,
    return
  }
  func.func @transform_0(%arg0: i32) -> (i32, i32) {
    %c0_i32 = arith.constant 0 : i32
    %c0_i32_0 = arith.constant 0 : i32
    return %arg0, %c0_i32 : i32, i32
  }
  func.func @transform_1(%arg0: i32) -> (i32, i32) {
    %c0_i32 = arith.constant 0 : i32
    %c0_i32_0 = arith.constant 0 : i32
    return %arg0, %c0_i32 : i32, i32
  }
  func.func @transform_2(%arg0: i32) -> (i32, i32) {
    %c0_i32 = arith.constant 0 : i32
    %c0_i32_0 = arith.constant 0 : i32
    %c0_i32_1 = arith.constant 0 : i32
    return %c0_i32, %c0_i32_0 : i32, i32
  }
  func.func @transform_3(%arg0: i32) -> (i32, i32) {
    %c0_i32 = arith.constant 0 : i32
    %c0_i32_0 = arith.constant 0 : i32
    %c0_i32_1 = arith.constant 0 : i32
    return %c0_i32, %c0_i32_0 : i32, i32
  }
  func.func @transform_4(%arg0: i32) -> (i32, i32) {
    %c0_i32 = arith.constant 0 : i32
    %c0_i32_0 = arith.constant 0 : i32
    %c0_i32_1 = arith.constant 0 : i32
    return %c0_i32, %c0_i32_0 : i32, i32
  }
  func.func @transform_5(%arg0: i32) -> (i32, i32) {
    %c0_i32 = arith.constant 0 : i32
    %c0_i32_0 = arith.constant 0 : i32
    %c0_i32_1 = arith.constant 0 : i32
    return %c0_i32, %c0_i32_0 : i32, i32
  }
  func.func @transform_6(%arg0: i32) -> (i32, i32) {
    %c0_i32 = arith.constant 0 : i32
    %c0_i32_0 = arith.constant 0 : i32
    %c0_i32_1 = arith.constant 0 : i32
    return %c0_i32, %c0_i32_0 : i32, i32
  }
  func.func @transform_7(%arg0: i32) -> (i32, i32) {
    %c0_i32 = arith.constant 0 : i32
    %c0_i32_0 = arith.constant 0 : i32
    %c0_i32_1 = arith.constant 0 : i32
    return %c0_i32, %c0_i32_0 : i32, i32
  }
  func.func @transform_8(%arg0: i32) -> (i32, i32) {
    %c0_i32 = arith.constant 0 : i32
    %c0_i32_0 = arith.constant 0 : i32
    %c0_i32_1 = arith.constant 0 : i32
    return %c0_i32, %c0_i32_0 : i32, i32
  }
  func.func @transform_9(%arg0: i32) -> (i32, i32) {
    %c0_i32 = arith.constant 0 : i32
    %c0_i32_0 = arith.constant 0 : i32
    return %arg0, %c0_i32 : i32, i32
  }
}

</mosaic_0001>

<sc_bundles>
// kernel: kernel.4.cloned.1.call-start
scs
__scs_entry_jumppad:
0x0: {  	(pc) =	sbr.rel $0x88, $3  }
0x1: {  	(tag) =	ssettag $0x0;
	lr =	simm.s32 $0x1  }
0x2: {  	[smem:$0x3F97] =	sst lr;
	_ =	strace $0xD0000000  }
0x3: {  	_ = 	snop  }
0x4: {  	_ = 	snop  }
0x5: {  	_ = 	snop  }
0x6: {  	_ = 	snop  }
0x7: {  	_ = 	snop  }
__scs_overlays_trampoline_lowered:
0x8: {  	[smem:$0x3FA6] =	sst s0  }
0x9: {  	[smem:$0x3FA7] =	sst s1  }
0xa: {  	[smem:$0x3FA8] =	sst s2  }
0xb: {  	[smem:$0x3FA9] =	sst s3  }
0xc: {  	[smem:$0x3FAA] =	sst s4  }
0xd: {  	[smem:$0x3FAB] =	sst s5  }
0xe: {  	[smem:$0x3FAC] =	sst s6  }
0xf: {  	[smem:$0x3FAD] =	sst s7  }
0x10: {  	[smem:$0x3FAE] =	sst s8  }
0x11: {  	[smem:$0x3FAF] =	sst s9;
	s0 =	simm.s32 @!p0 $0x0  }
0x12: {  	s1 =	sld [smem:$0x3F95];
	s0 =	simm.s32 @p0 $0x1  }
0x13: {  	[smem:$0x3FB0] =	sst s0;
	s0 =	simm.s32 @!p1 $0x0  }
0x14: {  	s2 =	sld [smem:$0x3F94];
	s0 =	simm.s32 @p1 $0x1  }
0x15: {  	[smem:$0x3FB1] =	sst s0;
	s0 =	simm.s32 @!p2 $0x0  }
0x16: {  	s3 =	sld [smem:$0x3FDB];
	s0 =	simm.s32 @p2 $0x1  }
0x17: {  	s4 =	simm.s32 $0x1BF5;
	[smem:$0x3FB3] =	sst s0  }
0x18: {  	s0 =	sld [smem:$0x3F96];
	_ =	swait.ge [sflag:s4], $0x0  }
0x19: {  	s7 =	sld [smem:$0x3F97]  }
0x1a: {  	s8 =	sadd.s32 $0xFFFFE003, lr  }
0x1b: {  	s9 =	sadd.s32 $0xFFFFFEF7, lr;
	s5 =	simm.s32 $0xFFFFFFFF;
	p2 =	slt.u32 s8, $0xFFFFF086  }
0x1c: {  	p1 =	slt.u32 s9, $0xF7A;
	s5 =	simm.s32 @!p2 $0x0  }
0x1d: {  	s5 =	simm.s32 @p1 $0x1;
	p0 =	seq.s32 s7, s2  }
0x1e: {  	s7 =	smul.u32 @!p0 $0xF7A, s2;
	p2 =	seq.s32 @!p0 s5, $0x0  }
0x1f: {  	s9 =	smul.u32 $0xF7A, s1;
	s8 =	simm.s32 @!p0 $0x1BF5;
	p2 =	por !p2, p0  }
0x20: {  	[sflag:s8] =	ssyncset.s32 @!p0 $0xFFFFF086;
	s6 =	sadd.s32 @!p0 s3, s7;
	s7 =	simm.s32 @!p0 $0x108  }
0x21: {  	s3 =	sadd.s32 s3, s9;
	s6 =	sadd.s32 @!p0 $0x88, s6;
	s7 =	simm.s32 @p2 $0x1082  }
0x22: {  	[simem:s7], [sflag:s8] =	dma.local @!p0 [hbm:s6], $0xF7A  }
0x23: {  	s9 =	sor.u32 $0xD0000000, s2;
	s6 =	simm.s32 $0x108;
	_ =	swait.ge @!p0 [sflag:s8], $0x0  }
0x24: {  	s3 =	sadd.s32 $0x88, s3;
	s6 =	simm.s32 @!p1 $0x1082;
	[sflag:s4] =	ssyncset.s32 $0xFFFFF086  }
0x25: {  	[simem:s6], [sflag:s4] =	dma.local [hbm:s3], $0xF7A  }
0x26: {  	[smem:$0x3F97] =	sst s1;
	(tag) =	ssettag s2;
	_ =	strace s9  }
0x27: {  	s1 =	sld [smem:$0x3FA7]  }
0x28: {  	s2 =	sld [smem:$0x3FA8]  }
0x29: {  	s4 =	sld [smem:$0x3FAA]  }
0x2a: {  	p0 =	seq.s32 s5, $0x0;
	s5 =	sld [smem:$0x3FAB]  }
0x2b: {  	s6 =	sld [smem:$0x3FAC]  }
0x2c: {  	s7 =	sld [smem:$0x3FAD]  }
0x2d: {  	s3 =	simm.s32 $0x108;
	s8 =	sld [smem:$0x3FAE]  }
0x2e: {  	s3 =	simm.s32 @!p0 $0x1082;
	s9 =	sld [smem:$0x3FAF]  }
0x2f: {  	lr =	sadd.s32 s0, s3;
	s0 =	sld [smem:$0x3FA6]  }
0x30: {  	s3 =	sld [smem:$0x3FA9]  }
0x31: {  	[smem:$0x3FB2] =	sst s10  }
0x32: {  	s10 =	sld [smem:$0x3FB0];
	_ =	sdelay $0x3  }
0x33: {  	p0 =	seq.s32 s10, $0x1;
	s10 =	sld [smem:$0x3FB2];
	_ =	sdelay $0x3  }
0x34: {  	[smem:$0x3FB2] =	sst s10  }
0x35: {  	s10 =	sld [smem:$0x3FB1];
	_ =	sdelay $0x3  }
0x36: {  	p1 =	seq.s32 s10, $0x1;
	s10 =	sld [smem:$0x3FB2];
	_ =	sdelay $0x3  }
0x37: {  	[smem:$0x3FB2] =	sst s10  }
0x38: {  	s10 =	sld [smem:$0x3FB3]  }
0x39: {  	_ = 	snop;
	(pc) =	sbr.ind lr, $3  }
0x3a: {  	_ = 	snop  }
0x3b: {  	_ = 	snop  }
0x3c: {  	p2 =	seq.s32 s10, $0x1;
	s10 =	sld [smem:$0x3FB2]  }
0x3d: {  	_ =	shalt  }
0x3e: {  	_ =	shalt  }
0x3f: {  	_ =	shalt  }
0x40: {  	_ =	shalt  }
0x41: {  	_ =	shalt  }
0x42: {  	_ =	shalt  }
0x43: {  	_ =	shalt  }
0x44: {  	_ =	shalt  }
0x45: {  	_ =	shalt  }
0x46: {  	_ =	shalt  }
0x47: {  	_ =	shalt  }
0x48: {  	_ =	shalt  }
0x49: {  	_ =	shalt  }
0x4a: {  	_ =	shalt  }
0x4b: {  	_ =	shalt  }
0x4c: {  	_ =	shalt  }
0x4d: {  	_ =	shalt  }
0x4e: {  	_ =	shalt  }
0x4f: {  	_ =	shalt  }
0x50: {  	_ =	shalt  }
0x51: {  	_ =	shalt  }
0x52: {  	_ =	shalt  }
0x53: {  	_ =	shalt  }
0x54: {  	_ =	shalt  }
0x55: {  	_ =	shalt  }
0x56: {  	_ =	shalt  }
0x57: {  	_ =	shalt  }
0x58: {  	_ =	shalt  }
0x59: {  	_ =	shalt  }
0x5a: {  	_ =	shalt  }
0x5b: {  	_ =	shalt  }
0x5c: {  	_ =	shalt  }
0x5d: {  	_ =	shalt  }
0x5e: {  	_ =	shalt  }
0x5f: {  	_ =	shalt  }
0x60: {  	_ =	shalt  }
0x61: {  	_ =	shalt  }
0x62: {  	_ =	shalt  }
0x63: {  	_ =	shalt  }
0x64: {  	_ =	shalt  }
0x65: {  	_ =	shalt  }
0x66: {  	_ =	shalt  }
0x67: {  	_ =	shalt  }
0x68: {  	_ =	shalt  }
0x69: {  	_ =	shalt  }
0x6a: {  	_ =	shalt  }
0x6b: {  	_ =	shalt  }
0x6c: {  	_ =	shalt  }
0x6d: {  	_ =	shalt  }
0x6e: {  	_ =	shalt  }
0x6f: {  	_ =	shalt  }
0x70: {  	_ =	shalt  }
0x71: {  	_ =	shalt  }
0x72: {  	_ =	shalt  }
0x73: {  	_ =	shalt  }
0x74: {  	_ =	shalt  }
0x75: {  	_ =	shalt  }
0x76: {  	_ =	shalt  }
0x77: {  	_ =	shalt  }
0x78: {  	_ =	shalt  }
0x79: {  	_ =	shalt  }
0x7a: {  	_ =	shalt  }
0x7b: {  	_ =	shalt  }
0x7c: {  	_ =	shalt  }
0x7d: {  	_ =	shalt  }
0x7e: {  	_ =	shalt  }
0x7f: {  	_ =	shalt  }
0x80: {  	_ =	shalt  }
0x81: {  	_ =	shalt  }
0x82: {  	_ =	shalt  }
0x83: {  	_ =	shalt  }
0x84: {  	_ =	shalt  }
0x85: {  	_ =	shalt  }
0x86: {  	_ =	shalt  }
0x87: {  	_ =	shalt  }
.Lfunc_end0:
.L_simem_size_0:
called_computation_lowered:
.L_overlay_start_0:
0x88: {  	s2 =	sld [smem:$0x3FD9]  }
0x89: {  	s3 =	sld [smem:$0x3FFE];
	_ =	sdelay $0x1  }
0x8a: {  	s1 =	srdreg.scid  }
0x8b: {  	s0 =	sand.u32 $0x1, s1  }
0x8c: {  	s17 =	sshll.u32 s0, $0xA;
	s2 =	sadd.s32 s3, s2  }
0x8d: {  	s2 =	sadd.s32 s2, s17  }
0x8e: {  	[smem:$0x3FBE] =	sst s2  }
0x8f: {  	_ = 	snop  }
0x90: {  	s2 =	sld [smem:$0x3FC9]  }
0x91: {  	s18 =	sld [smem:$0x3FC8];
	(tm) =	ssettm $0x1  }
0x92: {  	s4 =	sld [smem:$0x3FFB];
	_ =	sdelay $0x3  }
0x93: {  	_ =	strace s4  }
0x94: {  	s4 =	sld [smem:$0x3FFC];
	_ =	sdelay $0x3  }
0x95: {  	_ =	strace s4  }
0x96: {  	s4 =	sld [smem:$0x3FFD];
	_ =	sdelay $0x3  }
0x97: {  	_ =	strace s4  }
0x98: {  	_ =	strace $0x8FFFFFFF  }
0x99: {  	s19 =	sld [smem:$0x3FDB];
	_ =	sdelay $0x1  }
0x9a: {  	s5 =	simm.s32 $_scs_section_size  }
0x9b: {  	s6 =	simm.s32 $_size__tile_overlayer_lowered;
	s7 =	simm.s32 $_tile_overlayer_lowered  }
0x9c: {  	s22 =	simm.s32 $0x1BFF;
	s21 =	sshll.u32 s7, $0x1;
	s4 =	sadd.s32 s5, s19  }
0x9d: {  	s8 =	simm.s32 $0x0;
	s20 =	sshll.u32 s6, $0x1;
	s6 =	sadd.s32 s21, s4  }
0x9e: {  	[timem:s8], [sflag:s22] =	dma.local [hbm:s6], s20  }
0x9f: {  	_ =	swait.ge [sflag:s22], s20  }
0xa0: {  	s5 =	ssub.s32 $0x0, s20;
	[sflag:s22] =	ssyncset.done $0x0  }
0xa1: {  	[sflag:s22] =	ssyncadd.s32 s5;
	_ =	sdelay $0x1  }
0xa2: {  	s23 =	simm.s32 $0x1B8B  }
0xa3: {  	_ =	swait.ge [sflag:s23], $0x1  }
0xa4: {  	[sflag:s23] =	ssyncset.done $0x0  }
0xa5: {  	s25 =	simm.s32 $0x1B8E;
	s24 =	sld [smem:$0x3FFE];
	[sflag:s23] =	ssyncadd.s32 $0xFFFFFFFF  }
0xa6: {  	s26 =	simm.s32 $execute0_lowered;
	[smem:$0x3FD2] =	sst s25  }
0xa7: {  	s6 =	sshll.u32 s26, $0x1;
	_ =	strace $0x80000046;
	[dreg:$0x1] =	wrdreg $0xFFFFFFFF  }
0xa8: {  	s28 =	simm.s32 $_size_execute0_lowered;
	s4 =	sadd.s32 s4, s6;
	[dreg:$0x0] =	wrdreg $0x0  }
0xa9: {  	s6 =	sshll.u32 s28, $0x1;
	[dreg:$0x2] =	wrdreg s4  }
0xaa: {  	[dreg:$0x3] =	wrdreg s6  }
0xab: {  	[dreg:$0x4] =	wrdreg $0xC0  }
0xac: {  	_ =	task [dreg:s8], $0x5FFFF  }
0xad: {  	[dreg:$0x1] =	wrdreg $0xFFFFFFFF  }
0xae: {  	[dreg:$0x0] =	wrdreg $0x60  }
0xaf: {  	[dreg:$0x2] =	wrdreg s24  }
0xb0: {  	[dreg:$0x3] =	wrdreg s2  }
0xb1: {  	[dreg:$0x4] =	wrdreg s18  }
0xb2: {  	[dreg:$0x5] =	wrdreg $0x9  }
0xb3: {  	_ =	task.clear_ibuf [dreg:s8], $0x6FFFF;
	_ =	strace $0x90000046  }
0xb4: {  	s29 =	simm.s32 $0x9;
	_ =	strace $0x80000048  }
0xb5: {  	_ =	swait.ge [sflag:s29], $0x1  }
0xb6: {  	[sflag:s29] =	ssyncadd.s32 $0xFFFFFFFF  }
0xb7: {  	_ =	strace $0x90000048  }
0xb8: {  	_ =	sfence  }
0xb9: {  	s30 =	sld [smem:$0x0];
	_ =	sdelay $0x2  }
0xba: {  	s31 =	sshll.u32 s1, $0xD;
	s1 =	sshrl.u32 s1, $0x2  }
0xbb: {  	s3 =	sand.u32 $0x4000, s31;
	s1 =	sadd.s32 s1, s30  }
0xbc: {  	s0 =	sor.u32 s3, s0;
	s1 =	sshll.u32 s1, $0x11  }
0xbd: {  	s0 =	sor.u32 s1, s0  }
0xbe: {  	s0 =	sadd.s32 $0x8F2B, s0  }
0xbf: {  	[sflag:s0] =	ssyncadd.remote.s32 $0x1  }
0xc0: {  	_ =	sfence.sel $0xFFFF  }
0xc1: {  	[dreg:$0x0] =	wrdreg $0xFFFFFFFF;
	(pc) =	sbr.abs _section_cstart, $3  }
0xc2: {  	[dreg:$0x1] =	wrdreg $0xFFFFFFFF  }
0xc3: {  	_ =	task.clear_ibuf [dreg:s8], $0x2FFFF;
	_ =	strace $0x9FFFFFFF  }
0xc4: {  	(tm) =	ssettm $0x7FFFFFFF  }
0xc5: {  	_ =	shalt  }
tec
execute0_lowered:
.L_overlay_start_1:
0x0: {  	(tag) =	ssettag $0x1  }
0x1: {  	s2 =	srdreg.scid  }
0x2: {  	s0 =	stileid.u32;
	s30 =	sand.u32 $0x1, s2  }
0x3: {  	s1 =	rddreg [dreg:$0x0];
	s3 =	sshll.u32 s0, $0xA;
	s4 =	sshll.u32 s30, $0x9  }
0x4: {  	s14 =	rddreg [dreg:$0x1];
	s31 =	sor.u32 s4, s3  }
0x5: {  	s16 =	rddreg [dreg:$0x2];
	s2 =	simm.s32 $0x0;
	s15 =	sshrl.u32 s31, $0x3  }
0x6: {  	[smem:$0x7FF] =	sst s2;
	s25 =	sadd.s32 s14, s15  }
0x7: {  	_ =	strace $0x80000047;
	[dreg:$0x4] =	wrdreg s25  }
0x8: {  	s3 =	simm.s32 $0x2;
	s26 =	rddreg [dreg:$0x4]  }
0x9: {  	[tilespmem:s2], [sflag:$0x2] =	stream.linear.gather [hbm4b:s26+s2], $0x80, $0x38;
	[tilespmem:$0x8400] =	vst v63  }
0xa: {  	_ =	swait.ge [sflag:s3], $0x80  }
0xb: {  	[sflag:s3] =	ssyncset.done $0x0  }
0xc: {  	s5 =	simm.s32 $0x200;
	s4 =	sadd.s32 s16, s15;
	[sflag:s3] =	ssyncadd.s32 $0xFFFFFF80  }
0xd: {  	[tilespmem:s5], [sflag:$0x2] =	stream.linear.gather [hbm4b:s4+s2], $0x80, $0x38;
	[tilespmem:$0x8400] =	vst v63  }
0xe: {  	_ =	swait.ge [sflag:s3], $0x80  }
0xf: {  	s8 =	sor.u32 $0x10, s15;
	[sflag:s3] =	ssyncset.done $0x0  }
0x10: {  	s7 =	simm.s32 $0x80;
	s6 =	sadd.s32 s14, s8;
	[sflag:s3] =	ssyncadd.s32 $0xFFFFFF80  }
0x11: {  	[tilespmem:s7], [sflag:$0x2] =	stream.linear.gather [hbm4b:s6+s2], $0x80, $0x38;
	[tilespmem:$0x8400] =	vst v63  }
0x12: {  	_ =	swait.ge [sflag:s3], $0x80  }
0x13: {  	[sflag:s3] =	ssyncset.done $0x0  }
0x14: {  	s9 =	simm.s32 $0x280;
	s8 =	sadd.s32 s16, s8;
	[sflag:s3] =	ssyncadd.s32 $0xFFFFFF80  }
0x15: {  	[tilespmem:s9], [sflag:$0x2] =	stream.linear.gather [hbm4b:s8+s2], $0x80, $0x38;
	[tilespmem:$0x8400] =	vst v63  }
0x16: {  	_ =	swait.ge [sflag:s3], $0x80  }
0x17: {  	s12 =	sor.u32 $0x20, s15;
	[sflag:s3] =	ssyncset.done $0x0  }
0x18: {  	s11 =	simm.s32 $0x100;
	s10 =	sadd.s32 s14, s12;
	[sflag:s3] =	ssyncadd.s32 $0xFFFFFF80  }
0x19: {  	[tilespmem:s11], [sflag:$0x2] =	stream.linear.gather [hbm4b:s10+s2], $0x80, $0x38;
	[tilespmem:$0x8400] =	vst v63  }
0x1a: {  	_ =	swait.ge [sflag:s3], $0x80  }
0x1b: {  	[sflag:s3] =	ssyncset.done $0x0  }
0x1c: {  	s13 =	simm.s32 $0x300;
	s12 =	sadd.s32 s16, s12;
	[sflag:s3] =	ssyncadd.s32 $0xFFFFFF80  }
0x1d: {  	[tilespmem:s13], [sflag:$0x2] =	stream.linear.gather [hbm4b:s12+s2], $0x80, $0x38;
	[tilespmem:$0x8400] =	vst v63  }
0x1e: {  	_ =	swait.ge [sflag:s3], $0x80  }
0x1f: {  	s17 =	sor.u32 $0x30, s15;
	[sflag:s3] =	ssyncset.done $0x0  }
0x20: {  	s15 =	simm.s32 $0x180;
	s14 =	sadd.s32 s14, s17;
	[sflag:s3] =	ssyncadd.s32 $0xFFFFFF80  }
0x21: {  	[tilespmem:s15], [sflag:$0x2] =	stream.linear.gather [hbm4b:s14+s2], $0x80, $0x38;
	[tilespmem:$0x8400] =	vst v63  }
0x22: {  	_ =	swait.ge [sflag:s3], $0x80  }
0x23: {  	[sflag:s3] =	ssyncset.done $0x0  }
0x24: {  	s16 =	sadd.s32 s16, s17;
	s17 =	simm.s32 $0x380;
	[sflag:s3] =	ssyncadd.s32 $0xFFFFFF80  }
0x25: {  	[tilespmem:s17], [sflag:$0x2] =	stream.linear.gather [hbm4b:s16+s2], $0x80, $0x38;
	[tilespmem:$0x8400] =	vst v63  }
0x26: {  	_ =	swait.ge [sflag:s3], $0x80  }
0x27: {  	[sflag:s3] =	ssyncset.done $0x0  }
0x28: {  	s19 =	simm.s32 $0x400;
	s18 =	sadd.s32 $0x1314200, s1;
	[sflag:s3] =	ssyncadd.s32 $0xFFFFFF80  }
0x29: {  	[tilespmem:s19], [sflag:$0x1] =	stream.indirect.gather [hbm4b:s18+s7], $0x20, s2, s7, $0xb8;
	[tilespmem:$0x8400] =	vst v63  }
0x2a: {  	s20 =	simm.s32 $0x1400  }
0x2b: {  	[tilespmem:s20], [sflag:$0x1] =	stream.indirect.gather [hbm4b:s18+s7], $0x20, s7, s7, $0xb8;
	[tilespmem:$0x8400] =	vst v63  }
0x2c: {  	s21 =	simm.s32 $0x2400  }
0x2d: {  	[tilespmem:s21], [sflag:$0x1] =	stream.indirect.gather [hbm4b:s18+s7], $0x20, s11, s7, $0xb8;
	[tilespmem:$0x8400] =	vst v63  }
0x2e: {  	s22 =	simm.s32 $0x3400  }
0x2f: {  	[tilespmem:s22], [sflag:$0x1] =	stream.indirect.gather [hbm4b:s18+s7], $0x20, s15, s7, $0xb8;
	[tilespmem:$0x8400] =	vst v63  }
0x30: {  	s24 =	simm.s32 $0x4400;
	s23 =	sadd.s32 $0xF43800, s1  }
0x31: {  	[tilespmem:s24], [sflag:$0x1] =	stream.indirect.gather [hbm4b:s23+s7], $0x20, s5, s7, $0xb8;
	[tilespmem:$0x8400] =	vst v63  }
0x32: {  	s25 =	simm.s32 $0x5400  }
0x33: {  	[tilespmem:s25], [sflag:$0x1] =	stream.indirect.gather [hbm4b:s23+s7], $0x20, s9, s7, $0xb8;
	[tilespmem:$0x8400] =	vst v63  }
0x34: {  	s26 =	simm.s32 $0x6400  }
0x35: {  	[tilespmem:s26], [sflag:$0x1] =	stream.indirect.gather [hbm4b:s23+s7], $0x20, s13, s7, $0xb8;
	[tilespmem:$0x8400] =	vst v63  }
0x36: {  	s28 =	simm.s32 $0x7400;
	s29 =	simm.s32 $0x1  }
0x37: {  	[tilespmem:s28], [sflag:$0x1] =	stream.indirect.gather [hbm4b:s23+s7], $0x20, s17, s7, $0xb8;
	[tilespmem:$0x8400] =	vst v63  }
0x38: {  	_ =	swait.ge [sflag:s29], $0x1000  }
0x39: {  	[sflag:s29] =	ssyncset.done $0x0  }
0x3a: {  	[sflag:s29] =	ssyncadd.s32 $0xFFFFF000  }
0x3b: {  	_ =	swait.ge [sflag:s29], $0x1000  }
0x3c: {  	[sflag:s29] =	ssyncset.done $0x0  }
0x3d: {  	[sflag:s29] =	ssyncadd.s32 $0xFFFFF000  }
0x3e: {  	_ =	swait.ge [sflag:s29], $0x1000  }
0x3f: {  	[sflag:s29] =	ssyncset.done $0x0  }
0x40: {  	[sflag:s29] =	ssyncadd.s32 $0xFFFFF000  }
0x41: {  	_ =	swait.ge [sflag:s29], $0x1000  }
0x42: {  	[sflag:s29] =	ssyncset.done $0x0  }
0x43: {  	[sflag:s29] =	ssyncadd.s32 $0xFFFFF000  }
0x44: {  	_ =	swait.ge [sflag:s29], $0x1000  }
0x45: {  	[sflag:s29] =	ssyncset.done $0x0  }
0x46: {  	[sflag:s29] =	ssyncadd.s32 $0xFFFFF000  }
0x47: {  	_ =	swait.ge [sflag:s29], $0x1000  }
0x48: {  	[sflag:s29] =	ssyncset.done $0x0  }
0x49: {  	[sflag:s29] =	ssyncadd.s32 $0xFFFFF000  }
0x4a: {  	s31 =	sshll.u32 s31, $0x2;
	_ =	swait.ge [sflag:s29], $0x1000  }
0x4b: {  	s1 =	sadd.s32 s31, s1;
	s31 =	ssub.s32 $0x2, s30;
	[sflag:s29] =	ssyncset.done $0x0  }
0x4c: {  	s0 =	sshrl.u32 s31, $0x1;
	[sflag:s29] =	ssyncadd.s32 $0xFFFFF000  }
0x4d: {  	s0 =	ssub.s32 s31, s0;
	_ =	swait.ge [sflag:s29], $0x1000  }
0x4e: {  	s0 =	smax.u32 s0, $0x1;
	[sflag:s29] =	ssyncset.done $0x0  }
0x4f: {  	s30 =	sadd.s32 $0x11400, s1;
	p0 =	sne.s32 s0, $0x1;
	[sflag:s29] =	ssyncadd.s32 $0xFFFFF000  }
0x50: {  	[hbm4b:s30+s2] =	stream.linear.scatter [tilespmem:s19], [sflag:$0x2], $0x4000, $0x38;
	[tilespmem:$0x8400] =	vst v63  }
.Ltmp0:
0x51: {  	_ =	swait.ge [sflag:s3], $0x4000;
	(pc) =	sbr.rel @!p0 .LBB2_2-.Ltmp0, $4  }
0x52: {  	[sflag:s3] =	ssyncset.done $0x0  }
0x53: {  	s31 =	sadd.s32 $0x1400, s1;
	[sflag:s3] =	ssyncadd.s32 $0xFFFFC000  }
0x54: {  	[hbm4b:s31+s2] =	stream.linear.scatter [tilespmem:s24], [sflag:$0x2], $0x4000, $0x38;
	[tilespmem:$0x8400] =	vst v63  }
0x55: {  	s1 =	sadd.s32 $0xFFFFFFFF, s0;
	_ =	swait.ge [sflag:s3], $0x4000  }
.LBB2_1:
0x56: {  	[sflag:s3] =	ssyncset.done $0x0  }
0x57: {  	s0 =	rddreg [dreg:$0x4];
	[sflag:s3] =	ssyncadd.s32 $0xFFFFC000  }
0x58: {  	[tilespmem:s2], [sflag:$0x2] =	stream.linear.gather [hbm4b:s0+s2], $0x80, $0x38;
	[tilespmem:$0x8400] =	vst v63  }
0x59: {  	_ =	swait.ge [sflag:s3], $0x80  }
0x5a: {  	[sflag:s3] =	ssyncset.done $0x0  }
0x5b: {  	[sflag:s3] =	ssyncadd.s32 $0xFFFFFF80  }
0x5c: {  	[tilespmem:s5], [sflag:$0x2] =	stream.linear.gather [hbm4b:s4+s2], $0x80, $0x38;
	[tilespmem:$0x8400] =	vst v63  }
0x5d: {  	_ =	swait.ge [sflag:s3], $0x80  }
0x5e: {  	[sflag:s3] =	ssyncset.done $0x0  }
0x5f: {  	[sflag:s3] =	ssyncadd.s32 $0xFFFFFF80  }
0x60: {  	[tilespmem:s7], [sflag:$0x2] =	stream.linear.gather [hbm4b:s6+s2], $0x80, $0x38;
	[tilespmem:$0x8400] =	vst v63  }
0x61: {  	_ =	swait.ge [sflag:s3], $0x80  }
0x62: {  	[sflag:s3] =	ssyncset.done $0x0  }
0x63: {  	[sflag:s3] =	ssyncadd.s32 $0xFFFFFF80  }
0x64: {  	[tilespmem:s9], [sflag:$0x2] =	stream.linear.gather [hbm4b:s8+s2], $0x80, $0x38;
	[tilespmem:$0x8400] =	vst v63  }
0x65: {  	_ =	swait.ge [sflag:s3], $0x80  }
0x66: {  	[sflag:s3] =	ssyncset.done $0x0  }
0x67: {  	[sflag:s3] =	ssyncadd.s32 $0xFFFFFF80  }
0x68: {  	[tilespmem:s11], [sflag:$0x2] =	stream.linear.gather [hbm4b:s10+s2], $0x80, $0x38;
	[tilespmem:$0x8400] =	vst v63  }
0x69: {  	_ =	swait.ge [sflag:s3], $0x80  }
0x6a: {  	[sflag:s3] =	ssyncset.done $0x0  }
0x6b: {  	[sflag:s3] =	ssyncadd.s32 $0xFFFFFF80  }
0x6c: {  	[tilespmem:s13], [sflag:$0x2] =	stream.linear.gather [hbm4b:s12+s2], $0x80, $0x38;
	[tilespmem:$0x8400] =	vst v63  }
0x6d: {  	_ =	swait.ge [sflag:s3], $0x80  }
0x6e: {  	[sflag:s3] =	ssyncset.done $0x0  }
0x6f: {  	[sflag:s3] =	ssyncadd.s32 $0xFFFFFF80  }
0x70: {  	[tilespmem:s15], [sflag:$0x2] =	stream.linear.gather [hbm4b:s14+s2], $0x80, $0x38;
	[tilespmem:$0x8400] =	vst v63  }
0x71: {  	_ =	swait.ge [sflag:s3], $0x80  }
0x72: {  	[sflag:s3] =	ssyncset.done $0x0  }
0x73: {  	[sflag:s3] =	ssyncadd.s32 $0xFFFFFF80  }
0x74: {  	[tilespmem:s17], [sflag:$0x2] =	stream.linear.gather [hbm4b:s16+s2], $0x80, $0x38;
	[tilespmem:$0x8400] =	vst v63  }
0x75: {  	_ =	swait.ge [sflag:s3], $0x80  }
0x76: {  	[sflag:s3] =	ssyncset.done $0x0  }
0x77: {  	[sflag:s3] =	ssyncadd.s32 $0xFFFFFF80  }
0x78: {  	[tilespmem:s19], [sflag:$0x1] =	stream.indirect.gather [hbm4b:s18+s7], $0x20, s2, s7, $0xb8;
	[tilespmem:$0x8400] =	vst v63  }
0x79: {  	_ = 	snop  }
0x7a: {  	[tilespmem:s20], [sflag:$0x1] =	stream.indirect.gather [hbm4b:s18+s7], $0x20, s7, s7, $0xb8;
	[tilespmem:$0x8400] =	vst v63  }
0x7b: {  	_ = 	snop  }
0x7c: {  	[tilespmem:s21], [sflag:$0x1] =	stream.indirect.gather [hbm4b:s18+s7], $0x20, s11, s7, $0xb8;
	[tilespmem:$0x8400] =	vst v63  }
0x7d: {  	_ = 	snop  }
0x7e: {  	[tilespmem:s22], [sflag:$0x1] =	stream.indirect.gather [hbm4b:s18+s7], $0x20, s15, s7, $0xb8;
	[tilespmem:$0x8400] =	vst v63  }
0x7f: {  	_ = 	snop  }
0x80: {  	[tilespmem:s24], [sflag:$0x1] =	stream.indirect.gather [hbm4b:s23+s7], $0x20, s5, s7, $0xb8;
	[tilespmem:$0x8400] =	vst v63  }
0x81: {  	_ = 	snop  }
0x82: {  	[tilespmem:s25], [sflag:$0x1] =	stream.indirect.gather [hbm4b:s23+s7], $0x20, s9, s7, $0xb8;
	[tilespmem:$0x8400] =	vst v63  }
0x83: {  	_ = 	snop  }
0x84: {  	[tilespmem:s26], [sflag:$0x1] =	stream.indirect.gather [hbm4b:s23+s7], $0x20, s13, s7, $0xb8;
	[tilespmem:$0x8400] =	vst v63  }
0x85: {  	_ = 	snop  }
0x86: {  	[tilespmem:s28], [sflag:$0x1] =	stream.indirect.gather [hbm4b:s23+s7], $0x20, s17, s7, $0xb8;
	[tilespmem:$0x8400] =	vst v63  }
0x87: {  	_ =	swait.ge [sflag:s29], $0x1000  }
0x88: {  	[sflag:s29] =	ssyncset.done $0x0  }
0x89: {  	[sflag:s29] =	ssyncadd.s32 $0xFFFFF000  }
0x8a: {  	_ =	swait.ge [sflag:s29], $0x1000  }
0x8b: {  	[sflag:s29] =	ssyncset.done $0x0  }
0x8c: {  	[sflag:s29] =	ssyncadd.s32 $0xFFFFF000  }
0x8d: {  	_ =	swait.ge [sflag:s29], $0x1000  }
0x8e: {  	[sflag:s29] =	ssyncset.done $0x0  }
0x8f: {  	[sflag:s29] =	ssyncadd.s32 $0xFFFFF000  }
0x90: {  	_ =	swait.ge [sflag:s29], $0x1000  }
0x91: {  	[sflag:s29] =	ssyncset.done $0x0  }
0x92: {  	[sflag:s29] =	ssyncadd.s32 $0xFFFFF000  }
0x93: {  	_ =	swait.ge [sflag:s29], $0x1000  }
0x94: {  	[sflag:s29] =	ssyncset.done $0x0  }
0x95: {  	[sflag:s29] =	ssyncadd.s32 $0xFFFFF000  }
0x96: {  	_ =	swait.ge [sflag:s29], $0x1000  }
0x97: {  	[sflag:s29] =	ssyncset.done $0x0  }
0x98: {  	[sflag:s29] =	ssyncadd.s32 $0xFFFFF000  }
0x99: {  	_ =	swait.ge [sflag:s29], $0x1000  }
0x9a: {  	[sflag:s29] =	ssyncset.done $0x0  }
0x9b: {  	[sflag:s29] =	ssyncadd.s32 $0xFFFFF000  }
0x9c: {  	_ =	swait.ge [sflag:s29], $0x1000  }
0x9d: {  	[sflag:s29] =	ssyncset.done $0x0  }
0x9e: {  	p0 =	sne.s32 s1, $0x1;
	[sflag:s29] =	ssyncadd.s32 $0xFFFFF000  }
0x9f: {  	[hbm4b:s30+s2] =	stream.linear.scatter [tilespmem:s19], [sflag:$0x2], $0x4000, $0x38;
	[tilespmem:$0x8400] =	vst v63  }
.Ltmp1:
0xa0: {  	_ =	swait.ge [sflag:s3], $0x4000;
	(pc) =	sbr.rel @p0 .LBB2_1-.Ltmp1, $4  }
0xa1: {  	[sflag:s3] =	ssyncset.done $0x0  }
0xa2: {  	[sflag:s3] =	ssyncadd.s32 $0xFFFFC000  }
0xa3: {  	[hbm4b:s31+s2] =	stream.linear.scatter [tilespmem:s24], [sflag:$0x2], $0x4000, $0x38;
	[tilespmem:$0x8400] =	vst v63  }
0xa4: {  	s1 =	sadd.s32 $0xFFFFFFFF, s1;
	_ =	swait.ge [sflag:s3], $0x4000  }
.LBB2_2:
0xa5: {  	[sflag:s3] =	ssyncset.done $0x0  }
0xa6: {  	[sflag:s3] =	ssyncadd.s32 $0xFFFFC000  }
0xa7: {  	_ =	sfence.sel $0x180000  }
0xa8: {  	[bflag:$0x0] =	sbarrier.arrive $0xFFFF  }
0xa9: {  	_ =	strace $0x90000047  }
0xaa: {  	s0 =	stileid.u32;
	[bflag:$0x2] =	sbarrier.arrive $0xFFFF  }
0xab: {  	p0 =	sne.s32 s0, $0x0;
	s0 =	rddreg [dreg:$0x3]  }
0xac: {  	s0 =	sadd.s32 @!p0 $0x100000, s0  }
0xad: {  	[sflag:s0] =	ssyncadd.tile.s32 @!p0 $0x1;
	_ =	shalt  }
.Lfunc_end2:
_tile_overlayer_lowered:
.L_overlay_start_2:
0xae: {  	(tag) =	ssettag $0x2  }
0xaf: {  	s0 =	rddreg [dreg:$0x0];
	s2 =	stileid.u32  }
0xb0: {  	s1 =	rddreg [dreg:$0x1];
	p0 =	sne.s32 s2, $0x0  }
0xb1: {  	s3 =	rddreg [dreg:$0x2];
	[bflag:$0x3] =	sbarrier.arrive $0xFFFF;
	s2 =	simm.s32 @!p0 $0x1C02  }
0xb2: {  	[timem:s3], [sflag:s2] =	dma.local @!p0 [hbm:s0], s1  }
0xb3: {  	s0 =	simm.s32 @!p0 $0x2  }
0xb4: {  	_ =	swait.ge @!p0 [sflag:s0], s1  }
0xb5: {  	s1 =	ssub.s32 @!p0 $0x0, s1;
	[sflag:s0] =	ssyncset.done @!p0 $0x0  }
0xb6: {  	[sflag:s0] =	ssyncadd.s32 @!p0 s1  }
0xb7: {  	[bflag:$0x3] =	sbarrier.arrive $0xFFFF  }
0xb8: {  	_ =	shalt  }

</sc_bundles>
